<compile_context>
chip_gen: v7x
topology: tpu7x:2x2x1
jax: 0.10.2.dev20260603
libtpu: 0.0.44.dev20260713+nightly
codegen_flags: <defaults>
</compile_context>

<pallas_src>
import functools

import jax
import jax.numpy as jnp
from jax import lax
from jax.experimental import pallas as pl
from jax.experimental.pallas import tpu as pltpu
from jax.experimental.pallas import tpu_sc as plsc

_THRESHOLD = 0.9
_L = 16
_BIG = 0x7FFFFFFF


def _sim_body(slots_ref, simp_ref, rmax_ref, rarg_ref):
    n = slots_ref.shape[1]
    npad = simp_ref.shape[2]
    x = slots_ref[0]
    nrm = jnp.sqrt(jnp.sum(x * x, axis=1, keepdims=True))
    xn = x / jnp.maximum(nrm, 1e-12)
    xnb = xn.astype(jnp.bfloat16)
    sim = lax.dot_general(
        xnb, xnb, (((1,), (1,)), ((), ())),
        preferred_element_type=jnp.float32,
    )
    row_i = lax.broadcasted_iota(jnp.int32, (n, n), 0)
    col_i = lax.broadcasted_iota(jnp.int32, (n, n), 1)
    sim = jnp.where(row_i == col_i, sim - 2.0, sim)

    cmax = jnp.max(sim, axis=0, keepdims=True)
    pad = npad - n
    rmax_ref[0] = jnp.concatenate(
        [cmax, jnp.full((1, pad), -2.0, jnp.float32)], axis=1)

    @pl.when(jnp.max(cmax) > _THRESHOLD)
    def _():
        carg = jnp.min(jnp.where(sim == cmax, row_i, jnp.int32(_BIG)),
                       axis=0, keepdims=True)
        simp_ref[0] = jnp.concatenate(
            [sim, jnp.full((n, pad), -2.0, jnp.float32)], axis=1)
        rarg_ref[0] = jnp.concatenate(
            [carg, jnp.zeros((1, pad), jnp.int32)], axis=1)


def _greedy_body(simp, rmax0, rarg0, slots, mt_out, merged,
                 rmax_v, rarg_v, alive_v, mt_v, row_v, cnt_v, acc_v, srow_v,
                 mflag, sem):
    b_total, n_rows, npad = simp.shape
    d = slots.shape[2]
    nchunks = npad // _L
    dchunks = d // _L
    wid = lax.axis_index("s") * 2 + lax.axis_index("c")
    lane = lax.iota(jnp.int32, _L)
    lane0 = lane == 0

    def splat_i(s):
        return jnp.full((_L,), s, jnp.int32)

    def splat_f(s):
        return jnp.full((_L,), s, jnp.float32)

    def gather_i(ref, idx):
        return jnp.min(plsc.load_gather(ref, [splat_i(idx)]))

    @pl.when(wid < b_total)
    def _():
        b = wid
        pltpu.async_copy(rmax0.at[b], rmax_v, sem).wait()
        pltpu.async_copy(rarg0.at[b], rarg_v, sem).wait()

        def init_chunk(j, _):
            idx = lane + j * _L
            alive_v[pl.ds(j * _L, _L)] = jnp.where(
                idx < n_rows, 1.0, 0.0).astype(jnp.float32)
            mt_v[pl.ds(j * _L, _L)] = idx
            return 0

        lax.fori_loop(0, nchunks, init_chunk, 0)

        def global_argmax():
            def step(j, carry):
                vm, vi = carry
                v = rmax_v[pl.ds(j * _L, _L)]
                idx = lane + j * _L
                upd = v > vm
                return jnp.where(upd, v, vm), jnp.where(upd, idx, vi)

            vm, vi = lax.fori_loop(
                0, nchunks, step,
                (splat_f(-3.0), jnp.zeros((_L,), jnp.int32)))
            m = jnp.max(vm)
            r = jnp.min(jnp.where(vm == m, vi, jnp.int32(_BIG)))
            return m, r

        def masked_row_argmax():
            def step(k, carry):
                vm, vi = carry
                v = row_v[pl.ds(k * _L, _L)]
                a = alive_v[pl.ds(k * _L, _L)]
                w = jnp.where(a > 0.5, v, -2.0)
                idx = lane + k * _L
                upd = w > vm
                return jnp.where(upd, w, vm), jnp.where(upd, idx, vi)

            vm, vi = lax.fori_loop(
                0, nchunks, step,
                (splat_f(-3.0), jnp.zeros((_L,), jnp.int32)))
            m = jnp.max(vm)
            c = jnp.min(jnp.where(vm == m, vi, jnp.int32(_BIG)))
            return m, c

        def cond(st):
            return st != 0

        def body(st):
            m, r = global_argmax()
            go = m > _THRESHOLD
            _do_merge(go, r)
            return go.astype(jnp.int32)

        def _do_merge(go, r):
            @pl.when(go)
            def _():
                mflag[0] = jnp.int32(1)
                c = gather_i(rarg_v, r)
                src = jnp.maximum(r, c)
                tgt = jnp.minimum(r, c)
                plsc.store_scatter(mt_v, [splat_i(src)], splat_i(tgt),
                                   mask=lane0)
                plsc.store_scatter(alive_v, [splat_i(src)], splat_f(0.0),
                                   mask=lane0)
                plsc.store_scatter(rmax_v, [splat_i(src)], splat_f(-2.0),
                                   mask=lane0)

                def scan_chunk(j, _):
                    rarg_c = rarg_v[pl.ds(j * _L, _L)]
                    alive_c = alive_v[pl.ds(j * _L, _L)]
                    need = (rarg_c == src) & (alive_c > 0.5)
                    cnt = plsc.all_reduce_population_count(need)

                    @pl.when(jnp.max(cnt) > 0)
                    def _():
                        def lane_step(l, _):
                            i = j * _L + l
                            hit = (gather_i(rarg_v, i) == src) & (
                                jnp.min(plsc.load_gather(
                                    alive_v, [splat_i(i)])) > 0.5)

                            @pl.when(hit)
                            def _():
                                pltpu.async_copy(simp.at[b, i], row_v,
                                                 sem).wait()
                                nm, nc = masked_row_argmax()
                                plsc.store_scatter(
                                    rmax_v, [splat_i(i)], splat_f(nm),
                                    mask=lane0)
                                plsc.store_scatter(
                                    rarg_v, [splat_i(i)], splat_i(nc),
                                    mask=lane0)

                            return 0

                        lax.fori_loop(0, _L, lane_step, 0)

                    return 0

                lax.fori_loop(0, nchunks, scan_chunk, 0)

        mflag[0] = jnp.int32(0)
        lax.while_loop(cond, body, jnp.int32(1))
        pltpu.async_copy(mt_v, mt_out.at[b], sem).wait()

    sax = lax.axis_index("s")
    cax = lax.axis_index("c")

    @pl.when(sax >= 2)
    def _():
        cb = cax + 2 * ((sax - 2) // 7)
        sl_idx = (sax - 2) % 7

        @pl.when(sl_idx < 6)
        def _():
            src = slots.at[cb, pl.ds(sl_idx * 144, 144)]
            dst = merged.at[cb, pl.ds(sl_idx * 144, 144)]
            stage = acc_v.at[pl.ds(0, 144)]
            pltpu.async_copy(src, stage, sem).wait()
            pltpu.async_copy(stage, dst, sem).wait()

        @pl.when(sl_idx == 6)
        def _():
            src = slots.at[cb, pl.ds(864, 136)]
            dst = merged.at[cb, pl.ds(864, 136)]
            stage = acc_v.at[pl.ds(0, 136)]
            pltpu.async_copy(src, stage, sem).wait()
            pltpu.async_copy(stage, dst, sem).wait()

    plsc.subcore_barrier()

    @pl.when(wid < b_total)
    def _():
        b = wid

        @pl.when(mflag[0] != 0)
        def _():
            ones = jnp.ones((_L,), jnp.float32)
            zeros = jnp.zeros((_L,), jnp.float32)

            def zc(j, _):
                cnt_v[pl.ds(j * _L, _L)] = zeros
                return 0

            lax.fori_loop(0, nchunks, zc, 0)

            def cc(j, _):
                mtc = mt_v[pl.ds(j * _L, _L)]
                valid = (lane + j * _L) < n_rows
                plsc.addupdate_scatter(cnt_v, [mtc], ones, mask=valid)
                return 0

            lax.fori_loop(0, nchunks, cc, 0)

            rpp = acc_v.shape[0]
            for p in range((n_rows + rpp - 1) // rpp):
                base = p * rpp
                rows_out = min(rpp, n_rows - base)

                def za(r, _):
                    def zk(k, _):
                        acc_v[r, pl.ds(k * _L, _L)] = zeros
                        return 0

                    lax.fori_loop(0, dchunks, zk, 0)
                    return 0

                lax.fori_loop(0, rpp, za, 0)

                def si(i, _):
                    t = gather_i(mt_v, i)
                    hit = (t >= base) & (t < base + rpp)

                    @pl.when(hit)
                    def _():
                        pltpu.async_copy(slots.at[b, i], srow_v, sem).wait()
                        rel = t - base

                        def ak(k, _):
                            sl = pl.ds(k * _L, _L)
                            acc_v[rel, sl] = acc_v[rel, sl] + srow_v[sl]
                            return 0

                        lax.fori_loop(0, dchunks, ak, 0)

                    return 0

                lax.fori_loop(0, n_rows, si, 0)

                def dv(r, _):
                    cv = plsc.load_gather(cnt_v, [splat_i(base + r)])
                    scale = ones / jnp.maximum(cv, 1.0)

                    def mk(k, _):
                        sl = pl.ds(k * _L, _L)
                        acc_v[r, sl] = acc_v[r, sl] * scale
                        return 0

                    lax.fori_loop(0, dchunks, mk, 0)
                    return 0

                lax.fori_loop(0, rows_out, dv, 0)
                pltpu.async_copy(acc_v.at[pl.ds(0, rows_out)],
                                 merged.at[b, pl.ds(base, rows_out)],
                                 sem).wait()


def kernel(slots):
    b, n, d = slots.shape
    npad = ((n + _L - 1) // _L) * _L

    simp, rmax, rarg = pl.pallas_call(
        _sim_body,
        grid=(b,),
        in_specs=[pl.BlockSpec((1, n, d), lambda i: (i, 0, 0))],
        out_specs=[
            pl.BlockSpec((1, n, npad), lambda i: (i, 0, 0)),
            pl.BlockSpec((1, 1, npad), lambda i: (i, 0, 0)),
            pl.BlockSpec((1, 1, npad), lambda i: (i, 0, 0)),
        ],
        out_shape=[
            jax.ShapeDtypeStruct((b, n, npad), jnp.float32),
            jax.ShapeDtypeStruct((b, 1, npad), jnp.float32),
            jax.ShapeDtypeStruct((b, 1, npad), jnp.int32),
        ],
    )(slots)

    mesh = plsc.VectorSubcoreMesh(core_axis_name="c", subcore_axis_name="s",
                                  num_cores=2, num_subcores=16)
    acc_rows = 256
    mt_pad, merged = pl.kernel(
        _greedy_body,
        out_type=[
            jax.ShapeDtypeStruct((b, npad), jnp.int32),
            jax.ShapeDtypeStruct((b, n, d), jnp.float32),
        ],
        mesh=mesh,
        compiler_params=pltpu.CompilerParams(needs_layout_passes=False),
        scratch_types=[
            pltpu.VMEM((npad,), jnp.float32),
            pltpu.VMEM((npad,), jnp.int32),
            pltpu.VMEM((npad,), jnp.float32),
            pltpu.VMEM((npad,), jnp.int32),
            pltpu.VMEM((npad,), jnp.float32),
            pltpu.VMEM((npad,), jnp.float32),
            pltpu.VMEM((acc_rows, d), jnp.float32),
            pltpu.VMEM((d,), jnp.float32),
            pltpu.SMEM((1,), jnp.int32),
            pltpu.SemaphoreType.DMA,
        ],
    )(simp, rmax.reshape(b, npad), rarg.reshape(b, npad), slots)

    return merged, mt_pad[:, :n]

# --- scband reference (transcript-rebuilt; emitter-appended) ---
"""Pipeline reference for scband-token-merger-37778532336201 (READ-ONLY COPY).

The authoritative reference and input builder live on the scoring server;
editing this copy changes nothing except your own understanding.
"""

import jax, jax.numpy as jnp
import numpy as np

THRESHOLD = 0.9


def setup_inputs(seed: int = 0) -> dict:
    key = jax.random.key(seed)
    slots = jax.random.normal(key, (4, 1000, 256), dtype=jnp.float32)
    return {"slots": slots}


def _get_merge_map(slots, threshold):
    B, N, D = slots.shape
    norm = jnp.linalg.norm(slots, axis=-1, keepdims=True)
    slots_norm = slots / jnp.maximum(norm, 1e-12)
    sim = jnp.einsum('bnd,bmd->bnm', slots_norm, slots_norm)
    sim = sim - jnp.eye(N, dtype=sim.dtype)[None, :, :] * 2.0
    merge_target = jnp.broadcast_to(jnp.arange(N, dtype=jnp.int32), (B, N))
    b_ar = jnp.arange(B)

    def body(_, carry):
        sim, mt = carry
        flat = sim.reshape(B, -1)
        max_idx = jnp.argmax(flat, axis=-1)
        max_sim = jnp.take_along_axis(flat, max_idx[:, None], axis=-1)[:, 0]
        row = max_idx // N
        col = max_idx % N
        src = jnp.maximum(row, col).astype(jnp.int32)
        tgt = jnp.minimum(row, col).astype(jnp.int32)
        cond = max_sim > threshold
        mt = mt.at[b_ar, src].set(jnp.where(cond, tgt, mt[b_ar, src]))
        sim = sim.at[b_ar, row, col].set(jnp.where(cond, -2.0, sim[b_ar, row, col]))
        sim = sim.at[b_ar, col, row].set(jnp.where(cond, -2.0, sim[b_ar, col, row]))
        sim = sim.at[b_ar, src, :].set(jnp.where(cond[:, None], -2.0, sim[b_ar, src, :]))
        sim = sim.at[b_ar, :, src].set(jnp.where(cond[:, None], -2.0, sim[b_ar, :, src]))
        return (sim, mt)

    sim, merge_target = jax.lax.fori_loop(0, N, body, (sim, merge_target))
    return merge_target


def reference(slots):
    merge_map = _get_merge_map(slots, THRESHOLD)
    B, N, D = slots.shape
    b_idx = jnp.arange(B)[:, None]
    merged = jnp.zeros_like(slots).at[b_idx, merge_map].add(slots)
    counts = jnp.zeros((B, N, 1), dtype=slots.dtype).at[b_idx, merge_map].add(1.0)
    merged = merged / jnp.maximum(counts, 1.0)
    return (merged, merge_map)

if __name__ == "__main__":
    import jax
    _d = setup_inputs()
    print(jax.jit(kernel)(*tuple(_d.values())))

</pallas_src>

<mosaic_0001>
#map = affine_map<(d0, d1) -> (0, 0, 0)>
#map1 = affine_map<(d0, d1) -> (0, 0)>
module attributes {stable_mosaic.version = 14 : i64} {
  func.func @_greedy_body(%arg0: i32, %arg1: i32, %arg2: memref<4x1000x1008xf32, #tpu.memory_space<hbm>>, %arg3: memref<4x1008xf32, #tpu.memory_space<hbm>>, %arg4: memref<4x1008xi32, #tpu.memory_space<hbm>>, %arg5: memref<4x1000x256xf32, #tpu.memory_space<hbm>>, %arg6: memref<4x1008xi32, #tpu.memory_space<hbm>>, %arg7: memref<4x1000x256xf32, #tpu.memory_space<hbm>>, %arg8: memref<1008xf32, #tpu.memory_space<vmem>>, %arg9: memref<1008xi32, #tpu.memory_space<vmem>>, %arg10: memref<1008xf32, #tpu.memory_space<vmem>>, %arg11: memref<1008xi32, #tpu.memory_space<vmem>>, %arg12: memref<1008xf32, #tpu.memory_space<vmem>>, %arg13: memref<1008xf32, #tpu.memory_space<vmem>>, %arg14: memref<256x256xf32, #tpu.memory_space<vmem>>, %arg15: memref<256xf32, #tpu.memory_space<vmem>>, %arg16: memref<1xi32, #tpu.memory_space<smem>>, %arg17: memref<!tpu.dma_semaphore, #tpu.memory_space<semaphore_mem>>) attributes {dimension_semantics = [#tpu.dimension_semantics<core_parallel>, #tpu.dimension_semantics<subcore_parallel>], iteration_bounds = array<i64: 2, 16>, scalar_prefetch = 0 : i64, scratch_operands = 10 : i64, tpu.core_type = #tpu.core_type<sc_vector_subcore>, window_params = [{transform_indices = #map}, {transform_indices = #map1}, {transform_indices = #map1}, {transform_indices = #map}, {transform_indices = #map1}, {transform_indices = #map}]} {
    %mul3A = arith.constant 2 : i32
    %mul3A_0 = arith.muli %arg1, %mul3A : i32
    %add3A = arith.addi %mul3A_0, %arg0 : i32
    %iota3A = tpu.iota {dimensions = array<i32: 0>} : vector<16xi32>
    %eq3A = arith.constant 0 : i32
    %eq3A_1 = vector.broadcast %eq3A : i32 to vector<16xi32>
    %eq3A_2 = arith.cmpi eq, %iota3A, %eq3A_1 : vector<16xi32>
    %lt3A = arith.constant 4 : i32
    %lt3A_3 = arith.cmpi slt, %add3A, %lt3A : i32
    %convert_element_type3A = arith.extui %lt3A_3 : i1 to i32
    %cond3A = arith.constant 0 : i32
    %cond3A_4 = arith.cmpi ne, %convert_element_type3A, %cond3A : i32
    scf.if %cond3A_4 {
      %dma_start3A = arith.constant 0 : i32
      %dma_start3A_14 = tpu.memref_slice %arg3[%add3A, %dma_start3A] : memref<4x1008xf32, #tpu.memory_space<hbm>> -> memref<1x1008xf32, #tpu.memory_space<hbm>>
      %dma_start3A_15 = tpu.memref_squeeze %dma_start3A_14 : memref<1x1008xf32, #tpu.memory_space<hbm>> -> memref<1008xf32, #tpu.memory_space<hbm>>
      %dma_start3A_16 = arith.constant 0 : i32
      %dma_start3A_17 = tpu.memref_slice %arg3[%add3A, %dma_start3A_16] : memref<4x1008xf32, #tpu.memory_space<hbm>> -> memref<1x1008xf32, #tpu.memory_space<hbm>>
      %dma_start3A_18 = tpu.memref_squeeze %dma_start3A_17 : memref<1x1008xf32, #tpu.memory_space<hbm>> -> memref<1008xf32, #tpu.memory_space<hbm>>
      tpu.enqueue_dma source(%dma_start3A_18 : memref<1008xf32, #tpu.memory_space<hbm>>) target(%arg8 : memref<1008xf32, #tpu.memory_space<vmem>>) target_semaphore(%arg17 : memref<!tpu.dma_semaphore, #tpu.memory_space<semaphore_mem>>)
      %dma_wait3A = arith.constant 0 : i32
      %dma_wait3A_19 = tpu.memref_slice %arg3[%add3A, %dma_wait3A] : memref<4x1008xf32, #tpu.memory_space<hbm>> -> memref<1x1008xf32, #tpu.memory_space<hbm>>
      %dma_wait3A_20 = tpu.memref_squeeze %dma_wait3A_19 : memref<1x1008xf32, #tpu.memory_space<hbm>> -> memref<1008xf32, #tpu.memory_space<hbm>>
      %dma_wait3A_21 = arith.constant 0 : i32
      %dma_wait3A_22 = tpu.memref_slice %arg3[%add3A, %dma_wait3A_21] : memref<4x1008xf32, #tpu.memory_space<hbm>> -> memref<1x1008xf32, #tpu.memory_space<hbm>>
      %dma_wait3A_23 = tpu.memref_squeeze %dma_wait3A_22 : memref<1x1008xf32, #tpu.memory_space<hbm>> -> memref<1008xf32, #tpu.memory_space<hbm>>
      tpu.wait_dma2 semaphore(%arg17 : memref<!tpu.dma_semaphore, #tpu.memory_space<semaphore_mem>>) src(%dma_wait3A_23 : memref<1008xf32, #tpu.memory_space<hbm>>) dst(%arg8 : memref<1008xf32, #tpu.memory_space<vmem>>)
      %dma_start3A_24 = arith.constant 0 : i32
      %dma_start3A_25 = tpu.memref_slice %arg4[%add3A, %dma_start3A_24] : memref<4x1008xi32, #tpu.memory_space<hbm>> -> memref<1x1008xi32, #tpu.memory_space<hbm>>
      %dma_start3A_26 = tpu.memref_squeeze %dma_start3A_25 : memref<1x1008xi32, #tpu.memory_space<hbm>> -> memref<1008xi32, #tpu.memory_space<hbm>>
      %dma_start3A_27 = arith.constant 0 : i32
      %dma_start3A_28 = tpu.memref_slice %arg4[%add3A, %dma_start3A_27] : memref<4x1008xi32, #tpu.memory_space<hbm>> -> memref<1x1008xi32, #tpu.memory_space<hbm>>
      %dma_start3A_29 = tpu.memref_squeeze %dma_start3A_28 : memref<1x1008xi32, #tpu.memory_space<hbm>> -> memref<1008xi32, #tpu.memory_space<hbm>>
      tpu.enqueue_dma source(%dma_start3A_29 : memref<1008xi32, #tpu.memory_space<hbm>>) target(%arg9 : memref<1008xi32, #tpu.memory_space<vmem>>) target_semaphore(%arg17 : memref<!tpu.dma_semaphore, #tpu.memory_space<semaphore_mem>>)
      %dma_wait3A_30 = arith.constant 0 : i32
      %dma_wait3A_31 = tpu.memref_slice %arg4[%add3A, %dma_wait3A_30] : memref<4x1008xi32, #tpu.memory_space<hbm>> -> memref<1x1008xi32, #tpu.memory_space<hbm>>
      %dma_wait3A_32 = tpu.memref_squeeze %dma_wait3A_31 : memref<1x1008xi32, #tpu.memory_space<hbm>> -> memref<1008xi32, #tpu.memory_space<hbm>>
      %dma_wait3A_33 = arith.constant 0 : i32
      %dma_wait3A_34 = tpu.memref_slice %arg4[%add3A, %dma_wait3A_33] : memref<4x1008xi32, #tpu.memory_space<hbm>> -> memref<1x1008xi32, #tpu.memory_space<hbm>>
      %dma_wait3A_35 = tpu.memref_squeeze %dma_wait3A_34 : memref<1x1008xi32, #tpu.memory_space<hbm>> -> memref<1008xi32, #tpu.memory_space<hbm>>
      tpu.wait_dma2 semaphore(%arg17 : memref<!tpu.dma_semaphore, #tpu.memory_space<semaphore_mem>>) src(%dma_wait3A_35 : memref<1008xi32, #tpu.memory_space<hbm>>) dst(%arg9 : memref<1008xi32, #tpu.memory_space<vmem>>)
      %scan3A = arith.constant 0 : i32
      %scan3A_36 = arith.constant 0 : i32
      %scan3A_37 = arith.constant 63 : i32
      %scan3A_38 = arith.addi %scan3A_36, %scan3A_37 : i32
      %scan3A_39 = arith.constant 1 : i32
      %scan3A_40 = scf.for %scan3A_58 = %scan3A_36 to %scan3A_38 step %scan3A_39 iter_args(%scan3A_59 = %scan3A) -> (i32)  : i32 {
        %mul3A_60 = arith.constant 16 : i32
        %mul3A_61 = arith.muli %scan3A_58, %mul3A_60 : i32
        %add3A_62 = vector.broadcast %mul3A_61 : i32 to vector<16xi32>
        %add3A_63 = arith.addi %iota3A, %add3A_62 : vector<16xi32>
        %lt3A_64 = arith.constant 1000 : i32
        %lt3A_65 = vector.broadcast %lt3A_64 : i32 to vector<16xi32>
        %lt3A_66 = arith.cmpi slt, %add3A_63, %lt3A_65 : vector<16xi32>
        %jit3A = arith.constant 1.000000e+00 : f32
        %jit3A_67 = arith.constant 0.000000e+00 : f32
        %broadcast_in_dim3A = vector.broadcast %jit3A : f32 to vector<16xf32>
        %broadcast_in_dim3A_68 = vector.broadcast %jit3A_67 : f32 to vector<16xf32>
        %select_n3A = arith.select %lt3A_66, %broadcast_in_dim3A, %broadcast_in_dim3A_68 : vector<16xi1>, vector<16xf32>
        %mul3A_69 = arith.constant 16 : i32
        %mul3A_70 = arith.muli %scan3A_58, %mul3A_69 : i32
        %swap3A_71 = arith.index_cast %mul3A_70 : i32 to index
        %swap3A_72 = tpu.vector_load %arg10[%swap3A_71] {strides = array<i32>} : memref<1008xf32, #tpu.memory_space<vmem>>, vector<16xf32>,
        tpu.vector_store %arg10[%swap3A_71], %select_n3A {strides = array<i32>} : memref<1008xf32, #tpu.memory_space<vmem>>, vector<16xf32>,
        %mul3A_73 = arith.constant 16 : i32
        %mul3A_74 = arith.muli %scan3A_58, %mul3A_73 : i32
        %swap3A_75 = arith.index_cast %mul3A_74 : i32 to index
        %swap3A_76 = tpu.vector_load %arg11[%swap3A_75] {strides = array<i32>} : memref<1008xi32, #tpu.memory_space<vmem>>, vector<16xi32>,
        tpu.vector_store %arg11[%swap3A_75], %add3A_63 {strides = array<i32>} : memref<1008xi32, #tpu.memory_space<vmem>>, vector<16xi32>,
        %scan3A_77 = arith.constant 0 : i32
        scf.yield %scan3A_77 : i32
      }
      %scan3A_41 = arith.constant 63 : i32
      %swap3A = arith.constant 0 : i32
      %swap3A_42 = arith.constant 0 : i32
      %swap3A_43 = arith.index_cast %swap3A_42 : i32 to index
      %swap3A_44 = memref.load %arg16[%swap3A_43] : memref<1xi32, #tpu.memory_space<smem>>
      memref.store %swap3A, %arg16[%swap3A_43] : memref<1xi32, #tpu.memory_space<smem>>
      %while3A = arith.constant 1 : i32
      %while3A_45 = scf.while (%while3A_58 = %while3A) : (i32) -> i32 {
        %ne3A = arith.constant 0 : i32
        %ne3A_59 = arith.cmpi ne, %while3A_58, %ne3A : i32
        scf.condition(%ne3A_59) %while3A_58 : i32
      } do {
      ^bb0(%while3A_58: i32):
        %broadcast_in_dim3A = arith.constant -3.000000e+00 : f32
        %broadcast_in_dim3A_59 = vector.broadcast %broadcast_in_dim3A : f32 to vector<16xf32>
        %broadcast_in_dim3A_60 = arith.constant 0 : i32
        %broadcast_in_dim3A_61 = vector.broadcast %broadcast_in_dim3A_60 : i32 to vector<16xi32>
        %scan3A_62 = arith.constant 0 : i32
        %scan3A_63 = arith.constant 63 : i32
        %scan3A_64 = arith.addi %scan3A_62, %scan3A_63 : i32
        %scan3A_65 = arith.constant 1 : i32
        %scan3A_66:2 = scf.for %scan3A_86 = %scan3A_62 to %scan3A_64 step %scan3A_65 iter_args(%scan3A_87 = %broadcast_in_dim3A_59, %scan3A_88 = %broadcast_in_dim3A_61) -> (vector<16xf32>, vector<16xi32>)  : i32 {
          %mul3A_89 = arith.constant 16 : i32
          %mul3A_90 = arith.muli %scan3A_86, %mul3A_89 : i32
          %get3A = arith.index_cast %mul3A_90 : i32 to index
          %get3A_91 = tpu.vector_load %arg8[%get3A] {strides = array<i32>} : memref<1008xf32, #tpu.memory_space<vmem>>, vector<16xf32>,
          %mul3A_92 = arith.constant 16 : i32
          %mul3A_93 = arith.muli %scan3A_86, %mul3A_92 : i32
          %add3A_94 = vector.broadcast %mul3A_93 : i32 to vector<16xi32>
          %add3A_95 = arith.addi %iota3A, %add3A_94 : vector<16xi32>
          %gt3A_96 = arith.cmpf ogt, %get3A_91, %scan3A_87 : vector<16xf32>
          %select_n3A_97 = arith.select %gt3A_96, %get3A_91, %scan3A_87 : vector<16xi1>, vector<16xf32>
          %select_n3A_98 = arith.select %gt3A_96, %add3A_95, %scan3A_88 : vector<16xi1>, vector<16xi32>
          scf.yield %select_n3A_97, %select_n3A_98 : vector<16xf32>, vector<16xi32>
        }
        %scan3A_67 = arith.constant 63 : i32
        %reduce_max3A = arith.constant true
        %reduce_max3A_68 = vector.broadcast %reduce_max3A : i1 to vector<16xi1>
        %reduce_max3A_69 = tpu.scan <max>, %scan3A_66#0 masked %reduce_max3A_68 : vector<16xf32>, vector<16xi1> -> vector<16xf32>
        %reduce_max3A_70 = vector.extract %reduce_max3A_69[15] : f32 from vector<16xf32>
        %eq3A_71 = vector.broadcast %reduce_max3A_70 : f32 to vector<16xf32>
        %eq3A_72 = arith.cmpf oeq, %scan3A_66#0, %eq3A_71 : vector<16xf32>
        %jit3A = arith.constant 2147483647 : i32
        %broadcast_in_dim3A_73 = vector.broadcast %jit3A : i32 to vector<16xi32>
        %select_n3A = arith.select %eq3A_72, %scan3A_66#1, %broadcast_in_dim3A_73 : vector<16xi1>, vector<16xi32>
        %reduce_min3A = arith.constant true
        %reduce_min3A_74 = vector.broadcast %reduce_min3A : i1 to vector<16xi1>
        %reduce_min3A_75 = arith.constant -2147483648 : i32
        %reduce_min3A_76 = vector.broadcast %reduce_min3A_75 : i32 to vector<16xi32>
        %reduce_min3A_77 = arith.xori %select_n3A, %reduce_min3A_76 : vector<16xi32>
        %reduce_min3A_78 = tpu.scan <min>, %reduce_min3A_77 masked %reduce_min3A_74 : vector<16xi32>, vector<16xi1> -> vector<16xi32>
        %reduce_min3A_79 = arith.xori %reduce_min3A_78, %reduce_min3A_76 : vector<16xi32>
        %reduce_min3A_80 = vector.extract %reduce_min3A_79[15] : i32 from vector<16xi32>
        %gt3A = arith.constant 0.899999976 : f32
        %gt3A_81 = arith.cmpf ogt, %reduce_max3A_70, %gt3A : f32
        %convert_element_type3A_82 = arith.extui %gt3A_81 : i1 to i32
        %cond3A_83 = arith.constant 0 : i32
        %cond3A_84 = arith.cmpi ne, %convert_element_type3A_82, %cond3A_83 : i32
        scf.if %cond3A_84 {
          %swap3A_86 = arith.constant 1 : i32
          %swap3A_87 = arith.constant 0 : i32
          %swap3A_88 = arith.index_cast %swap3A_87 : i32 to index
          %swap3A_89 = memref.load %arg16[%swap3A_88] : memref<1xi32, #tpu.memory_space<smem>>
          memref.store %swap3A_86, %arg16[%swap3A_88] : memref<1xi32, #tpu.memory_space<smem>>
          %broadcast_in_dim3A_90 = vector.broadcast %reduce_min3A_80 : i32 to vector<16xi32>
          %gather3A = tpu.vector_load_idx %arg9[%broadcast_in_dim3A_90] : memref<1008xi32, #tpu.memory_space<vmem>>[vector<16xi32>], vector<16xi32>,
          %reduce_min3A_91 = arith.constant true
          %reduce_min3A_92 = vector.broadcast %reduce_min3A_91 : i1 to vector<16xi1>
          %reduce_min3A_93 = arith.constant -2147483648 : i32
          %reduce_min3A_94 = vector.broadcast %reduce_min3A_93 : i32 to vector<16xi32>
          %reduce_min3A_95 = arith.xori %gather3A, %reduce_min3A_94 : vector<16xi32>
          %reduce_min3A_96 = tpu.scan <min>, %reduce_min3A_95 masked %reduce_min3A_92 : vector<16xi32>, vector<16xi1> -> vector<16xi32>
          %reduce_min3A_97 = arith.xori %reduce_min3A_96, %reduce_min3A_94 : vector<16xi32>
          %reduce_min3A_98 = vector.extract %reduce_min3A_97[15] : i32 from vector<16xi32>
          %max3A = arith.maxsi %reduce_min3A_80, %reduce_min3A_98 : i32
          %min3A = arith.minsi %reduce_min3A_80, %reduce_min3A_98 : i32
          %broadcast_in_dim3A_99 = vector.broadcast %max3A : i32 to vector<16xi32>
          %broadcast_in_dim3A_100 = vector.broadcast %min3A : i32 to vector<16xi32>
          tpu.vector_store_idx %arg11[%broadcast_in_dim3A_99], %broadcast_in_dim3A_100 masked %eq3A_2 : memref<1008xi32, #tpu.memory_space<vmem>>[vector<16xi32>], vector<16xi32>, vector<16xi1>
          %broadcast_in_dim3A_101 = vector.broadcast %max3A : i32 to vector<16xi32>
          %broadcast_in_dim3A_102 = arith.constant 0.000000e+00 : f32
          %broadcast_in_dim3A_103 = vector.broadcast %broadcast_in_dim3A_102 : f32 to vector<16xf32>
          tpu.vector_store_idx %arg10[%broadcast_in_dim3A_101], %broadcast_in_dim3A_103 masked %eq3A_2 : memref<1008xf32, #tpu.memory_space<vmem>>[vector<16xi32>], vector<16xf32>, vector<16xi1>
          %broadcast_in_dim3A_104 = vector.broadcast %max3A : i32 to vector<16xi32>
          %broadcast_in_dim3A_105 = arith.constant -2.000000e+00 : f32
          %broadcast_in_dim3A_106 = vector.broadcast %broadcast_in_dim3A_105 : f32 to vector<16xf32>
          tpu.vector_store_idx %arg8[%broadcast_in_dim3A_104], %broadcast_in_dim3A_106 masked %eq3A_2 : memref<1008xf32, #tpu.memory_space<vmem>>[vector<16xi32>], vector<16xf32>, vector<16xi1>
          %scan3A_107 = arith.constant 0 : i32
          %scan3A_108 = arith.constant 0 : i32
          %scan3A_109 = arith.constant 63 : i32
          %scan3A_110 = arith.addi %scan3A_108, %scan3A_109 : i32
          %scan3A_111 = arith.constant 1 : i32
          %scan3A_112 = scf.for %scan3A_114 = %scan3A_108 to %scan3A_110 step %scan3A_111 iter_args(%scan3A_115 = %scan3A_107) -> (i32)  : i32 {
            %mul3A_116 = arith.constant 16 : i32
            %mul3A_117 = arith.muli %scan3A_114, %mul3A_116 : i32
            %get3A = arith.index_cast %mul3A_117 : i32 to index
            %get3A_118 = tpu.vector_load %arg9[%get3A] {strides = array<i32>} : memref<1008xi32, #tpu.memory_space<vmem>>, vector<16xi32>,
            %mul3A_119 = arith.constant 16 : i32
            %mul3A_120 = arith.muli %scan3A_114, %mul3A_119 : i32
            %get3A_121 = arith.index_cast %mul3A_120 : i32 to index
            %get3A_122 = tpu.vector_load %arg10[%get3A_121] {strides = array<i32>} : memref<1008xf32, #tpu.memory_space<vmem>>, vector<16xf32>,
            %eq3A_123 = vector.broadcast %max3A : i32 to vector<16xi32>
            %eq3A_124 = arith.cmpi eq, %get3A_118, %eq3A_123 : vector<16xi32>
            %gt3A_125 = arith.constant 5.000000e-01 : f32
            %gt3A_126 = vector.broadcast %gt3A_125 : f32 to vector<16xf32>
            %gt3A_127 = arith.cmpf ogt, %get3A_122, %gt3A_126 : vector<16xf32>
            %and3A = arith.andi %eq3A_124, %gt3A_127 : vector<16xi1>
            %all_reduce_population_count3A = tpu.all_reduce %and3A {dim = 0 : i64, kind = #tpu.reduction_kind<sum>} : vector<16xi1> -> vector<16xi32>
            %reduce_max3A_128 = arith.constant true
            %reduce_max3A_129 = vector.broadcast %reduce_max3A_128 : i1 to vector<16xi1>
            %reduce_max3A_130 = arith.constant -2147483648 : i32
            %reduce_max3A_131 = vector.broadcast %reduce_max3A_130 : i32 to vector<16xi32>
            %reduce_max3A_132 = arith.xori %all_reduce_population_count3A, %reduce_max3A_131 : vector<16xi32>
            %reduce_max3A_133 = tpu.scan <max>, %reduce_max3A_132 masked %reduce_max3A_129 : vector<16xi32>, vector<16xi1> -> vector<16xi32>
            %reduce_max3A_134 = arith.xori %reduce_max3A_133, %reduce_max3A_131 : vector<16xi32>
            %reduce_max3A_135 = vector.extract %reduce_max3A_134[15] : i32 from vector<16xi32>
            %gt3A_136 = arith.constant 0 : i32
            %gt3A_137 = arith.cmpi sgt, %reduce_max3A_135, %gt3A_136 : i32
            %convert_element_type3A_138 = arith.extui %gt3A_137 : i1 to i32
            %cond3A_139 = arith.constant 0 : i32
            %cond3A_140 = arith.cmpi ne, %convert_element_type3A_138, %cond3A_139 : i32
            scf.if %cond3A_140 {
              %scan3A_142 = arith.constant 0 : i32
              %scan3A_143 = arith.constant 0 : i32
              %scan3A_144 = arith.constant 16 : i32
              %scan3A_145 = arith.addi %scan3A_143, %scan3A_144 : i32
              %scan3A_146 = arith.constant 1 : i32
              %scan3A_147 = scf.for %scan3A_149 = %scan3A_143 to %scan3A_145 step %scan3A_146 iter_args(%scan3A_150 = %scan3A_142) -> (i32)  : i32 {
                %mul3A_151 = arith.constant 16 : i32
                %mul3A_152 = arith.muli %scan3A_114, %mul3A_151 : i32
                %add3A_153 = arith.addi %mul3A_152, %scan3A_149 : i32
                %broadcast_in_dim3A_154 = vector.broadcast %add3A_153 : i32 to vector<16xi32>
                %gather3A_155 = tpu.vector_load_idx %arg9[%broadcast_in_dim3A_154] : memref<1008xi32, #tpu.memory_space<vmem>>[vector<16xi32>], vector<16xi32>,
                %reduce_min3A_156 = arith.constant true
                %reduce_min3A_157 = vector.broadcast %reduce_min3A_156 : i1 to vector<16xi1>
                %reduce_min3A_158 = arith.constant -2147483648 : i32
                %reduce_min3A_159 = vector.broadcast %reduce_min3A_158 : i32 to vector<16xi32>
                %reduce_min3A_160 = arith.xori %gather3A_155, %reduce_min3A_159 : vector<16xi32>
                %reduce_min3A_161 = tpu.scan <min>, %reduce_min3A_160 masked %reduce_min3A_157 : vector<16xi32>, vector<16xi1> -> vector<16xi32>
                %reduce_min3A_162 = arith.xori %reduce_min3A_161, %reduce_min3A_159 : vector<16xi32>
                %reduce_min3A_163 = vector.extract %reduce_min3A_162[15] : i32 from vector<16xi32>
                %eq3A_164 = arith.cmpi eq, %reduce_min3A_163, %max3A : i32
                %broadcast_in_dim3A_165 = vector.broadcast %add3A_153 : i32 to vector<16xi32>
                %gather3A_166 = tpu.vector_load_idx %arg10[%broadcast_in_dim3A_165] : memref<1008xf32, #tpu.memory_space<vmem>>[vector<16xi32>], vector<16xf32>,
                %reduce_min3A_167 = arith.constant true
                %reduce_min3A_168 = vector.broadcast %reduce_min3A_167 : i1 to vector<16xi1>
                %reduce_min3A_169 = tpu.scan <min>, %gather3A_166 masked %reduce_min3A_168 : vector<16xf32>, vector<16xi1> -> vector<16xf32>
                %reduce_min3A_170 = vector.extract %reduce_min3A_169[15] : f32 from vector<16xf32>
                %gt3A_171 = arith.constant 5.000000e-01 : f32
                %gt3A_172 = arith.cmpf ogt, %reduce_min3A_170, %gt3A_171 : f32
                %and3A_173 = arith.andi %eq3A_164, %gt3A_172 : i1
                %convert_element_type3A_174 = arith.extui %and3A_173 : i1 to i32
                %cond3A_175 = arith.constant 0 : i32
                %cond3A_176 = arith.cmpi ne, %convert_element_type3A_174, %cond3A_175 : i32
                scf.if %cond3A_176 {
                  %dma_start3A_178 = arith.constant 0 : i32
                  %dma_start3A_179 = tpu.memref_slice %arg2[%add3A, %add3A_153, %dma_start3A_178] : memref<4x1000x1008xf32, #tpu.memory_space<hbm>> -> memref<1x1x1008xf32, #tpu.memory_space<hbm>>
                  %dma_start3A_180 = tpu.memref_squeeze %dma_start3A_179 : memref<1x1x1008xf32, #tpu.memory_space<hbm>> -> memref<1008xf32, #tpu.memory_space<hbm>>
                  %dma_start3A_181 = arith.constant 0 : i32
                  %dma_start3A_182 = tpu.memref_slice %arg2[%add3A, %add3A_153, %dma_start3A_181] : memref<4x1000x1008xf32, #tpu.memory_space<hbm>> -> memref<1x1x1008xf32, #tpu.memory_space<hbm>>
                  %dma_start3A_183 = tpu.memref_squeeze %dma_start3A_182 : memref<1x1x1008xf32, #tpu.memory_space<hbm>> -> memref<1008xf32, #tpu.memory_space<hbm>>
                  tpu.enqueue_dma source(%dma_start3A_183 : memref<1008xf32, #tpu.memory_space<hbm>>) target(%arg12 : memref<1008xf32, #tpu.memory_space<vmem>>) target_semaphore(%arg17 : memref<!tpu.dma_semaphore, #tpu.memory_space<semaphore_mem>>)
                  %dma_wait3A_184 = arith.constant 0 : i32
                  %dma_wait3A_185 = tpu.memref_slice %arg2[%add3A, %add3A_153, %dma_wait3A_184] : memref<4x1000x1008xf32, #tpu.memory_space<hbm>> -> memref<1x1x1008xf32, #tpu.memory_space<hbm>>
                  %dma_wait3A_186 = tpu.memref_squeeze %dma_wait3A_185 : memref<1x1x1008xf32, #tpu.memory_space<hbm>> -> memref<1008xf32, #tpu.memory_space<hbm>>
                  %dma_wait3A_187 = arith.constant 0 : i32
                  %dma_wait3A_188 = tpu.memref_slice %arg2[%add3A, %add3A_153, %dma_wait3A_187] : memref<4x1000x1008xf32, #tpu.memory_space<hbm>> -> memref<1x1x1008xf32, #tpu.memory_space<hbm>>
                  %dma_wait3A_189 = tpu.memref_squeeze %dma_wait3A_188 : memref<1x1x1008xf32, #tpu.memory_space<hbm>> -> memref<1008xf32, #tpu.memory_space<hbm>>
                  tpu.wait_dma2 semaphore(%arg17 : memref<!tpu.dma_semaphore, #tpu.memory_space<semaphore_mem>>) src(%dma_wait3A_189 : memref<1008xf32, #tpu.memory_space<hbm>>) dst(%arg12 : memref<1008xf32, #tpu.memory_space<vmem>>)
                  %broadcast_in_dim3A_190 = arith.constant -3.000000e+00 : f32
                  %broadcast_in_dim3A_191 = vector.broadcast %broadcast_in_dim3A_190 : f32 to vector<16xf32>
                  %broadcast_in_dim3A_192 = arith.constant 0 : i32
                  %broadcast_in_dim3A_193 = vector.broadcast %broadcast_in_dim3A_192 : i32 to vector<16xi32>
                  %scan3A_194 = arith.constant 0 : i32
                  %scan3A_195 = arith.constant 63 : i32
                  %scan3A_196 = arith.addi %scan3A_194, %scan3A_195 : i32
                  %scan3A_197 = arith.constant 1 : i32
                  %scan3A_198:2 = scf.for %scan3A_221 = %scan3A_194 to %scan3A_196 step %scan3A_197 iter_args(%scan3A_222 = %broadcast_in_dim3A_191, %scan3A_223 = %broadcast_in_dim3A_193) -> (vector<16xf32>, vector<16xi32>)  : i32 {
                    %mul3A_224 = arith.constant 16 : i32
                    %mul3A_225 = arith.muli %scan3A_221, %mul3A_224 : i32
                    %get3A_226 = arith.index_cast %mul3A_225 : i32 to index
                    %get3A_227 = tpu.vector_load %arg12[%get3A_226] {strides = array<i32>} : memref<1008xf32, #tpu.memory_space<vmem>>, vector<16xf32>,
                    %mul3A_228 = arith.constant 16 : i32
                    %mul3A_229 = arith.muli %scan3A_221, %mul3A_228 : i32
                    %get3A_230 = arith.index_cast %mul3A_229 : i32 to index
                    %get3A_231 = tpu.vector_load %arg10[%get3A_230] {strides = array<i32>} : memref<1008xf32, #tpu.memory_space<vmem>>, vector<16xf32>,
                    %gt3A_232 = arith.constant 5.000000e-01 : f32
                    %gt3A_233 = vector.broadcast %gt3A_232 : f32 to vector<16xf32>
                    %gt3A_234 = arith.cmpf ogt, %get3A_231, %gt3A_233 : vector<16xf32>
                    %jit3A_235 = arith.constant -2.000000e+00 : f32
                    %broadcast_in_dim3A_236 = vector.broadcast %jit3A_235 : f32 to vector<16xf32>
                    %select_n3A_237 = arith.select %gt3A_234, %get3A_227, %broadcast_in_dim3A_236 : vector<16xi1>, vector<16xf32>
                    %mul3A_238 = arith.constant 16 : i32
                    %mul3A_239 = arith.muli %scan3A_221, %mul3A_238 : i32
                    %add3A_240 = vector.broadcast %mul3A_239 : i32 to vector<16xi32>
                    %add3A_241 = arith.addi %iota3A, %add3A_240 : vector<16xi32>
                    %gt3A_242 = arith.cmpf ogt, %select_n3A_237, %scan3A_222 : vector<16xf32>
                    %select_n3A_243 = arith.select %gt3A_242, %select_n3A_237, %scan3A_222 : vector<16xi1>, vector<16xf32>
                    %select_n3A_244 = arith.select %gt3A_242, %add3A_241, %scan3A_223 : vector<16xi1>, vector<16xi32>
                    scf.yield %select_n3A_243, %select_n3A_244 : vector<16xf32>, vector<16xi32>
                  }
                  %scan3A_199 = arith.constant 63 : i32
                  %reduce_max3A_200 = arith.constant true
                  %reduce_max3A_201 = vector.broadcast %reduce_max3A_200 : i1 to vector<16xi1>
                  %reduce_max3A_202 = tpu.scan <max>, %scan3A_198#0 masked %reduce_max3A_201 : vector<16xf32>, vector<16xi1> -> vector<16xf32>
                  %reduce_max3A_203 = vector.extract %reduce_max3A_202[15] : f32 from vector<16xf32>
                  %eq3A_204 = vector.broadcast %reduce_max3A_203 : f32 to vector<16xf32>
                  %eq3A_205 = arith.cmpf oeq, %scan3A_198#0, %eq3A_204 : vector<16xf32>
                  %jit3A_206 = arith.constant 2147483647 : i32
                  %broadcast_in_dim3A_207 = vector.broadcast %jit3A_206 : i32 to vector<16xi32>
                  %select_n3A_208 = arith.select %eq3A_205, %scan3A_198#1, %broadcast_in_dim3A_207 : vector<16xi1>, vector<16xi32>
                  %reduce_min3A_209 = arith.constant true
                  %reduce_min3A_210 = vector.broadcast %reduce_min3A_209 : i1 to vector<16xi1>
                  %reduce_min3A_211 = arith.constant -2147483648 : i32
                  %reduce_min3A_212 = vector.broadcast %reduce_min3A_211 : i32 to vector<16xi32>
                  %reduce_min3A_213 = arith.xori %select_n3A_208, %reduce_min3A_212 : vector<16xi32>
                  %reduce_min3A_214 = tpu.scan <min>, %reduce_min3A_213 masked %reduce_min3A_210 : vector<16xi32>, vector<16xi1> -> vector<16xi32>
                  %reduce_min3A_215 = arith.xori %reduce_min3A_214, %reduce_min3A_212 : vector<16xi32>
                  %reduce_min3A_216 = vector.extract %reduce_min3A_215[15] : i32 from vector<16xi32>
                  %broadcast_in_dim3A_217 = vector.broadcast %add3A_153 : i32 to vector<16xi32>
                  %broadcast_in_dim3A_218 = vector.broadcast %reduce_max3A_203 : f32 to vector<16xf32>
                  tpu.vector_store_idx %arg8[%broadcast_in_dim3A_217], %broadcast_in_dim3A_218 masked %eq3A_2 : memref<1008xf32, #tpu.memory_space<vmem>>[vector<16xi32>], vector<16xf32>, vector<16xi1>
                  %broadcast_in_dim3A_219 = vector.broadcast %add3A_153 : i32 to vector<16xi32>
                  %broadcast_in_dim3A_220 = vector.broadcast %reduce_min3A_216 : i32 to vector<16xi32>
                  tpu.vector_store_idx %arg9[%broadcast_in_dim3A_219], %broadcast_in_dim3A_220 masked %eq3A_2 : memref<1008xi32, #tpu.memory_space<vmem>>[vector<16xi32>], vector<16xi32>, vector<16xi1>
                } else {
                }
                %scan3A_177 = arith.constant 0 : i32
                scf.yield %scan3A_177 : i32
              }
              %scan3A_148 = arith.constant 16 : i32
            } else {
            }
            %scan3A_141 = arith.constant 0 : i32
            scf.yield %scan3A_141 : i32
          }
          %scan3A_113 = arith.constant 63 : i32
        } else {
        }
        %convert_element_type3A_85 = arith.extui %gt3A_81 : i1 to i32
        scf.yield %convert_element_type3A_85 : i32
      }
      %dma_start3A_46 = arith.constant 0 : i32
      %dma_start3A_47 = tpu.memref_slice %arg6[%add3A, %dma_start3A_46] : memref<4x1008xi32, #tpu.memory_space<hbm>> -> memref<1x1008xi32, #tpu.memory_space<hbm>>
      %dma_start3A_48 = tpu.memref_squeeze %dma_start3A_47 : memref<1x1008xi32, #tpu.memory_space<hbm>> -> memref<1008xi32, #tpu.memory_space<hbm>>
      %dma_start3A_49 = arith.constant 0 : i32
      %dma_start3A_50 = tpu.memref_slice %arg6[%add3A, %dma_start3A_49] : memref<4x1008xi32, #tpu.memory_space<hbm>> -> memref<1x1008xi32, #tpu.memory_space<hbm>>
      %dma_start3A_51 = tpu.memref_squeeze %dma_start3A_50 : memref<1x1008xi32, #tpu.memory_space<hbm>> -> memref<1008xi32, #tpu.memory_space<hbm>>
      tpu.enqueue_dma source(%arg11 : memref<1008xi32, #tpu.memory_space<vmem>>) target(%dma_start3A_51 : memref<1008xi32, #tpu.memory_space<hbm>>) target_semaphore(%arg17 : memref<!tpu.dma_semaphore, #tpu.memory_space<semaphore_mem>>)
      %dma_wait3A_52 = arith.constant 0 : i32
      %dma_wait3A_53 = tpu.memref_slice %arg6[%add3A, %dma_wait3A_52] : memref<4x1008xi32, #tpu.memory_space<hbm>> -> memref<1x1008xi32, #tpu.memory_space<hbm>>
      %dma_wait3A_54 = tpu.memref_squeeze %dma_wait3A_53 : memref<1x1008xi32, #tpu.memory_space<hbm>> -> memref<1008xi32, #tpu.memory_space<hbm>>
      %dma_wait3A_55 = arith.constant 0 : i32
      %dma_wait3A_56 = tpu.memref_slice %arg6[%add3A, %dma_wait3A_55] : memref<4x1008xi32, #tpu.memory_space<hbm>> -> memref<1x1008xi32, #tpu.memory_space<hbm>>
      %dma_wait3A_57 = tpu.memref_squeeze %dma_wait3A_56 : memref<1x1008xi32, #tpu.memory_space<hbm>> -> memref<1008xi32, #tpu.memory_space<hbm>>
      tpu.wait_dma2 semaphore(%arg17 : memref<!tpu.dma_semaphore, #tpu.memory_space<semaphore_mem>>) src(%arg11 : memref<1008xi32, #tpu.memory_space<vmem>>) dst(%dma_wait3A_57 : memref<1008xi32, #tpu.memory_space<hbm>>)
    } else {
    }
    %ge3A = arith.constant 2 : i32
    %ge3A_5 = arith.cmpi sge, %arg1, %ge3A : i32
    %convert_element_type3A_6 = arith.extui %ge3A_5 : i1 to i32
    %cond3A_7 = arith.constant 0 : i32
    %cond3A_8 = arith.cmpi ne, %convert_element_type3A_6, %cond3A_7 : i32
    scf.if %cond3A_8 {
      %sub3A = arith.constant 2 : i32
      %sub3A_14 = arith.subi %arg1, %sub3A : i32
      %jit3A = arith.constant 7 : i32
      %div3A = arith.divsi %sub3A_14, %jit3A : i32
      %sign3A = arith.constant 0 : i32
      %sign3A_15 = arith.cmpi sgt, %sub3A_14, %sign3A : i32
      %sign3A_16 = arith.extui %sign3A_15 : i1 to i32
      %sign3A_17 = arith.constant 0 : i32
      %sign3A_18 = arith.cmpi slt, %sub3A_14, %sign3A_17 : i32
      %sign3A_19 = arith.extui %sign3A_18 : i1 to i32
      %sign3A_20 = arith.subi %sign3A_16, %sign3A_19 : i32
      %sign3A_21 = arith.constant 0 : i32
      %sign3A_22 = arith.cmpi sgt, %jit3A, %sign3A_21 : i32
      %sign3A_23 = arith.extui %sign3A_22 : i1 to i32
      %sign3A_24 = arith.constant 0 : i32
      %sign3A_25 = arith.cmpi slt, %jit3A, %sign3A_24 : i32
      %sign3A_26 = arith.extui %sign3A_25 : i1 to i32
      %sign3A_27 = arith.subi %sign3A_23, %sign3A_26 : i32
      %ne3A = arith.cmpi ne, %sign3A_20, %sign3A_27 : i32
      %rem3A = arith.remsi %sub3A_14, %jit3A : i32
      %ne3A_28 = arith.constant 0 : i32
      %ne3A_29 = arith.cmpi ne, %rem3A, %ne3A_28 : i32
      %and3A = arith.andi %ne3A, %ne3A_29 : i1
      %sub3A_30 = arith.constant 1 : i32
      %sub3A_31 = arith.subi %div3A, %sub3A_30 : i32
      %select_n3A = arith.select %and3A, %sub3A_31, %div3A : i32
      %mul3A_32 = arith.constant 2 : i32
      %mul3A_33 = arith.muli %mul3A_32, %select_n3A : i32
      %add3A_34 = arith.addi %arg0, %mul3A_33 : i32
      %sub3A_35 = arith.constant 2 : i32
      %sub3A_36 = arith.subi %arg1, %sub3A_35 : i32
      %jit3A_37 = arith.constant 7 : i32
      %eq3A_38 = arith.constant 0 : i32
      %eq3A_39 = arith.cmpi eq, %jit3A_37, %eq3A_38 : i32
      %jit3A_40 = arith.constant 1 : i32
      %select_n3A_41 = arith.select %eq3A_39, %jit3A_40, %jit3A_37 : i32
      %rem3A_42 = arith.remsi %sub3A_36, %select_n3A_41 : i32
      %ne3A_43 = arith.constant 0 : i32
      %ne3A_44 = arith.cmpi ne, %rem3A_42, %ne3A_43 : i32
      %lt3A_45 = arith.constant 0 : i32
      %lt3A_46 = arith.cmpi slt, %rem3A_42, %lt3A_45 : i32
      %lt3A_47 = arith.constant 0 : i32
      %lt3A_48 = arith.cmpi slt, %select_n3A_41, %lt3A_47 : i32
      %ne3A_49 = arith.xori %lt3A_46, %lt3A_48 : i1
      %and3A_50 = arith.andi %ne3A_49, %ne3A_44 : i1
      %add3A_51 = arith.addi %rem3A_42, %select_n3A_41 : i32
      %select_n3A_52 = arith.select %and3A_50, %add3A_51, %rem3A_42 : i32
      %lt3A_53 = arith.constant 6 : i32
      %lt3A_54 = arith.cmpi slt, %select_n3A_52, %lt3A_53 : i32
      %convert_element_type3A_55 = arith.extui %lt3A_54 : i1 to i32
      %cond3A_56 = arith.constant 0 : i32
      %cond3A_57 = arith.cmpi ne, %convert_element_type3A_55, %cond3A_56 : i32
      scf.if %cond3A_57 {
        %mul3A_63 = arith.constant 144 : i32
        %mul3A_64 = arith.muli %select_n3A_52, %mul3A_63 : i32
        %mul3A_65 = arith.constant 144 : i32
        %mul3A_66 = arith.muli %select_n3A_52, %mul3A_65 : i32
        %dma_start3A = arith.constant 0 : i32
        %dma_start3A_67 = arith.constant 0 : i32
        %dma_start3A_68 = tpu.memref_slice %arg14[%dma_start3A, %dma_start3A_67] : memref<256x256xf32, #tpu.memory_space<vmem>> -> memref<144x256xf32, #tpu.memory_space<vmem>>
        %dma_start3A_69 = arith.constant 0 : i32
        %dma_start3A_70 = tpu.memref_slice %arg5[%add3A_34, %mul3A_64, %dma_start3A_69] : memref<4x1000x256xf32, #tpu.memory_space<hbm>> -> memref<1x144x256xf32, #tpu.memory_space<hbm>>
        %dma_start3A_71 = tpu.memref_squeeze %dma_start3A_70 : memref<1x144x256xf32, #tpu.memory_space<hbm>> -> memref<144x256xf32, #tpu.memory_space<hbm>>
        %dma_start3A_72 = arith.constant 0 : i32
        %dma_start3A_73 = arith.constant 0 : i32
        %dma_start3A_74 = tpu.memref_slice %arg14[%dma_start3A_72, %dma_start3A_73] : memref<256x256xf32, #tpu.memory_space<vmem>> -> memref<144x256xf32, #tpu.memory_space<vmem>>
        %dma_start3A_75 = arith.constant 0 : i32
        %dma_start3A_76 = tpu.memref_slice %arg5[%add3A_34, %mul3A_64, %dma_start3A_75] : memref<4x1000x256xf32, #tpu.memory_space<hbm>> -> memref<1x144x256xf32, #tpu.memory_space<hbm>>
        %dma_start3A_77 = tpu.memref_squeeze %dma_start3A_76 : memref<1x144x256xf32, #tpu.memory_space<hbm>> -> memref<144x256xf32, #tpu.memory_space<hbm>>
        tpu.enqueue_dma source(%dma_start3A_77 : memref<144x256xf32, #tpu.memory_space<hbm>>) target(%dma_start3A_74 : memref<144x256xf32, #tpu.memory_space<vmem>>) target_semaphore(%arg17 : memref<!tpu.dma_semaphore, #tpu.memory_space<semaphore_mem>>)
        %dma_wait3A = arith.constant 0 : i32
        %dma_wait3A_78 = arith.constant 0 : i32
        %dma_wait3A_79 = tpu.memref_slice %arg14[%dma_wait3A, %dma_wait3A_78] : memref<256x256xf32, #tpu.memory_space<vmem>> -> memref<144x256xf32, #tpu.memory_space<vmem>>
        %dma_wait3A_80 = arith.constant 0 : i32
        %dma_wait3A_81 = tpu.memref_slice %arg5[%add3A_34, %mul3A_64, %dma_wait3A_80] : memref<4x1000x256xf32, #tpu.memory_space<hbm>> -> memref<1x144x256xf32, #tpu.memory_space<hbm>>
        %dma_wait3A_82 = tpu.memref_squeeze %dma_wait3A_81 : memref<1x144x256xf32, #tpu.memory_space<hbm>> -> memref<144x256xf32, #tpu.memory_space<hbm>>
        %dma_wait3A_83 = arith.constant 0 : i32
        %dma_wait3A_84 = arith.constant 0 : i32
        %dma_wait3A_85 = tpu.memref_slice %arg14[%dma_wait3A_83, %dma_wait3A_84] : memref<256x256xf32, #tpu.memory_space<vmem>> -> memref<144x256xf32, #tpu.memory_space<vmem>>
        %dma_wait3A_86 = arith.constant 0 : i32
        %dma_wait3A_87 = tpu.memref_slice %arg5[%add3A_34, %mul3A_64, %dma_wait3A_86] : memref<4x1000x256xf32, #tpu.memory_space<hbm>> -> memref<1x144x256xf32, #tpu.memory_space<hbm>>
        %dma_wait3A_88 = tpu.memref_squeeze %dma_wait3A_87 : memref<1x144x256xf32, #tpu.memory_space<hbm>> -> memref<144x256xf32, #tpu.memory_space<hbm>>
        tpu.wait_dma2 semaphore(%arg17 : memref<!tpu.dma_semaphore, #tpu.memory_space<semaphore_mem>>) src(%dma_wait3A_88 : memref<144x256xf32, #tpu.memory_space<hbm>>) dst(%dma_wait3A_85 : memref<144x256xf32, #tpu.memory_space<vmem>>)
        %dma_start3A_89 = arith.constant 0 : i32
        %dma_start3A_90 = arith.constant 0 : i32
        %dma_start3A_91 = tpu.memref_slice %arg14[%dma_start3A_89, %dma_start3A_90] : memref<256x256xf32, #tpu.memory_space<vmem>> -> memref<144x256xf32, #tpu.memory_space<vmem>>
        %dma_start3A_92 = arith.constant 0 : i32
        %dma_start3A_93 = tpu.memref_slice %arg7[%add3A_34, %mul3A_66, %dma_start3A_92] : memref<4x1000x256xf32, #tpu.memory_space<hbm>> -> memref<1x144x256xf32, #tpu.memory_space<hbm>>
        %dma_start3A_94 = tpu.memref_squeeze %dma_start3A_93 : memref<1x144x256xf32, #tpu.memory_space<hbm>> -> memref<144x256xf32, #tpu.memory_space<hbm>>
        %dma_start3A_95 = arith.constant 0 : i32
        %dma_start3A_96 = tpu.memref_slice %arg7[%add3A_34, %mul3A_66, %dma_start3A_95] : memref<4x1000x256xf32, #tpu.memory_space<hbm>> -> memref<1x144x256xf32, #tpu.memory_space<hbm>>
        %dma_start3A_97 = tpu.memref_squeeze %dma_start3A_96 : memref<1x144x256xf32, #tpu.memory_space<hbm>> -> memref<144x256xf32, #tpu.memory_space<hbm>>
        %dma_start3A_98 = arith.constant 0 : i32
        %dma_start3A_99 = arith.constant 0 : i32
        %dma_start3A_100 = tpu.memref_slice %arg14[%dma_start3A_98, %dma_start3A_99] : memref<256x256xf32, #tpu.memory_space<vmem>> -> memref<144x256xf32, #tpu.memory_space<vmem>>
        tpu.enqueue_dma source(%dma_start3A_100 : memref<144x256xf32, #tpu.memory_space<vmem>>) target(%dma_start3A_97 : memref<144x256xf32, #tpu.memory_space<hbm>>) target_semaphore(%arg17 : memref<!tpu.dma_semaphore, #tpu.memory_space<semaphore_mem>>)
        %dma_wait3A_101 = arith.constant 0 : i32
        %dma_wait3A_102 = arith.constant 0 : i32
        %dma_wait3A_103 = tpu.memref_slice %arg14[%dma_wait3A_101, %dma_wait3A_102] : memref<256x256xf32, #tpu.memory_space<vmem>> -> memref<144x256xf32, #tpu.memory_space<vmem>>
        %dma_wait3A_104 = arith.constant 0 : i32
        %dma_wait3A_105 = tpu.memref_slice %arg7[%add3A_34, %mul3A_66, %dma_wait3A_104] : memref<4x1000x256xf32, #tpu.memory_space<hbm>> -> memref<1x144x256xf32, #tpu.memory_space<hbm>>
        %dma_wait3A_106 = tpu.memref_squeeze %dma_wait3A_105 : memref<1x144x256xf32, #tpu.memory_space<hbm>> -> memref<144x256xf32, #tpu.memory_space<hbm>>
        %dma_wait3A_107 = arith.constant 0 : i32
        %dma_wait3A_108 = tpu.memref_slice %arg7[%add3A_34, %mul3A_66, %dma_wait3A_107] : memref<4x1000x256xf32, #tpu.memory_space<hbm>> -> memref<1x144x256xf32, #tpu.memory_space<hbm>>
        %dma_wait3A_109 = tpu.memref_squeeze %dma_wait3A_108 : memref<1x144x256xf32, #tpu.memory_space<hbm>> -> memref<144x256xf32, #tpu.memory_space<hbm>>
        %dma_wait3A_110 = arith.constant 0 : i32
        %dma_wait3A_111 = arith.constant 0 : i32
        %dma_wait3A_112 = tpu.memref_slice %arg14[%dma_wait3A_110, %dma_wait3A_111] : memref<256x256xf32, #tpu.memory_space<vmem>> -> memref<144x256xf32, #tpu.memory_space<vmem>>
        tpu.wait_dma2 semaphore(%arg17 : memref<!tpu.dma_semaphore, #tpu.memory_space<semaphore_mem>>) src(%dma_wait3A_112 : memref<144x256xf32, #tpu.memory_space<vmem>>) dst(%dma_wait3A_109 : memref<144x256xf32, #tpu.memory_space<hbm>>)
      } else {
      }
      %eq3A_58 = arith.constant 6 : i32
      %eq3A_59 = arith.cmpi eq, %select_n3A_52, %eq3A_58 : i32
      %convert_element_type3A_60 = arith.extui %eq3A_59 : i1 to i32
      %cond3A_61 = arith.constant 0 : i32
      %cond3A_62 = arith.cmpi ne, %convert_element_type3A_60, %cond3A_61 : i32
      scf.if %cond3A_62 {
        %dma_start3A = arith.constant 0 : i32
        %dma_start3A_63 = arith.constant 0 : i32
        %dma_start3A_64 = tpu.memref_slice %arg14[%dma_start3A, %dma_start3A_63] : memref<256x256xf32, #tpu.memory_space<vmem>> -> memref<136x256xf32, #tpu.memory_space<vmem>>
        %dma_start3A_65 = arith.constant 864 : i32
        %dma_start3A_66 = arith.constant 0 : i32
        %dma_start3A_67 = tpu.memref_slice %arg5[%add3A_34, %dma_start3A_65, %dma_start3A_66] : memref<4x1000x256xf32, #tpu.memory_space<hbm>> -> memref<1x136x256xf32, #tpu.memory_space<hbm>>
        %dma_start3A_68 = tpu.memref_squeeze %dma_start3A_67 : memref<1x136x256xf32, #tpu.memory_space<hbm>> -> memref<136x256xf32, #tpu.memory_space<hbm>>
        %dma_start3A_69 = arith.constant 0 : i32
        %dma_start3A_70 = arith.constant 0 : i32
        %dma_start3A_71 = tpu.memref_slice %arg14[%dma_start3A_69, %dma_start3A_70] : memref<256x256xf32, #tpu.memory_space<vmem>> -> memref<136x256xf32, #tpu.memory_space<vmem>>
        %dma_start3A_72 = arith.constant 864 : i32
        %dma_start3A_73 = arith.constant 0 : i32
        %dma_start3A_74 = tpu.memref_slice %arg5[%add3A_34, %dma_start3A_72, %dma_start3A_73] : memref<4x1000x256xf32, #tpu.memory_space<hbm>> -> memref<1x136x256xf32, #tpu.memory_space<hbm>>
        %dma_start3A_75 = tpu.memref_squeeze %dma_start3A_74 : memref<1x136x256xf32, #tpu.memory_space<hbm>> -> memref<136x256xf32, #tpu.memory_space<hbm>>
        tpu.enqueue_dma source(%dma_start3A_75 : memref<136x256xf32, #tpu.memory_space<hbm>>) target(%dma_start3A_71 : memref<136x256xf32, #tpu.memory_space<vmem>>) target_semaphore(%arg17 : memref<!tpu.dma_semaphore, #tpu.memory_space<semaphore_mem>>)
        %dma_wait3A = arith.constant 0 : i32
        %dma_wait3A_76 = arith.constant 0 : i32
        %dma_wait3A_77 = tpu.memref_slice %arg14[%dma_wait3A, %dma_wait3A_76] : memref<256x256xf32, #tpu.memory_space<vmem>> -> memref<136x256xf32, #tpu.memory_space<vmem>>
        %dma_wait3A_78 = arith.constant 864 : i32
        %dma_wait3A_79 = arith.constant 0 : i32
        %dma_wait3A_80 = tpu.memref_slice %arg5[%add3A_34, %dma_wait3A_78, %dma_wait3A_79] : memref<4x1000x256xf32, #tpu.memory_space<hbm>> -> memref<1x136x256xf32, #tpu.memory_space<hbm>>
        %dma_wait3A_81 = tpu.memref_squeeze %dma_wait3A_80 : memref<1x136x256xf32, #tpu.memory_space<hbm>> -> memref<136x256xf32, #tpu.memory_space<hbm>>
        %dma_wait3A_82 = arith.constant 0 : i32
        %dma_wait3A_83 = arith.constant 0 : i32
        %dma_wait3A_84 = tpu.memref_slice %arg14[%dma_wait3A_82, %dma_wait3A_83] : memref<256x256xf32, #tpu.memory_space<vmem>> -> memref<136x256xf32, #tpu.memory_space<vmem>>
        %dma_wait3A_85 = arith.constant 864 : i32
        %dma_wait3A_86 = arith.constant 0 : i32
        %dma_wait3A_87 = tpu.memref_slice %arg5[%add3A_34, %dma_wait3A_85, %dma_wait3A_86] : memref<4x1000x256xf32, #tpu.memory_space<hbm>> -> memref<1x136x256xf32, #tpu.memory_space<hbm>>
        %dma_wait3A_88 = tpu.memref_squeeze %dma_wait3A_87 : memref<1x136x256xf32, #tpu.memory_space<hbm>> -> memref<136x256xf32, #tpu.memory_space<hbm>>
        tpu.wait_dma2 semaphore(%arg17 : memref<!tpu.dma_semaphore, #tpu.memory_space<semaphore_mem>>) src(%dma_wait3A_88 : memref<136x256xf32, #tpu.memory_space<hbm>>) dst(%dma_wait3A_84 : memref<136x256xf32, #tpu.memory_space<vmem>>)
        %dma_start3A_89 = arith.constant 0 : i32
        %dma_start3A_90 = arith.constant 0 : i32
        %dma_start3A_91 = tpu.memref_slice %arg14[%dma_start3A_89, %dma_start3A_90] : memref<256x256xf32, #tpu.memory_space<vmem>> -> memref<136x256xf32, #tpu.memory_space<vmem>>
        %dma_start3A_92 = arith.constant 864 : i32
        %dma_start3A_93 = arith.constant 0 : i32
        %dma_start3A_94 = tpu.memref_slice %arg7[%add3A_34, %dma_start3A_92, %dma_start3A_93] : memref<4x1000x256xf32, #tpu.memory_space<hbm>> -> memref<1x136x256xf32, #tpu.memory_space<hbm>>
        %dma_start3A_95 = tpu.memref_squeeze %dma_start3A_94 : memref<1x136x256xf32, #tpu.memory_space<hbm>> -> memref<136x256xf32, #tpu.memory_space<hbm>>
        %dma_start3A_96 = arith.constant 864 : i32
        %dma_start3A_97 = arith.constant 0 : i32
        %dma_start3A_98 = tpu.memref_slice %arg7[%add3A_34, %dma_start3A_96, %dma_start3A_97] : memref<4x1000x256xf32, #tpu.memory_space<hbm>> -> memref<1x136x256xf32, #tpu.memory_space<hbm>>
        %dma_start3A_99 = tpu.memref_squeeze %dma_start3A_98 : memref<1x136x256xf32, #tpu.memory_space<hbm>> -> memref<136x256xf32, #tpu.memory_space<hbm>>
        %dma_start3A_100 = arith.constant 0 : i32
        %dma_start3A_101 = arith.constant 0 : i32
        %dma_start3A_102 = tpu.memref_slice %arg14[%dma_start3A_100, %dma_start3A_101] : memref<256x256xf32, #tpu.memory_space<vmem>> -> memref<136x256xf32, #tpu.memory_space<vmem>>
        tpu.enqueue_dma source(%dma_start3A_102 : memref<136x256xf32, #tpu.memory_space<vmem>>) target(%dma_start3A_99 : memref<136x256xf32, #tpu.memory_space<hbm>>) target_semaphore(%arg17 : memref<!tpu.dma_semaphore, #tpu.memory_space<semaphore_mem>>)
        %dma_wait3A_103 = arith.constant 0 : i32
        %dma_wait3A_104 = arith.constant 0 : i32
        %dma_wait3A_105 = tpu.memref_slice %arg14[%dma_wait3A_103, %dma_wait3A_104] : memref<256x256xf32, #tpu.memory_space<vmem>> -> memref<136x256xf32, #tpu.memory_space<vmem>>
        %dma_wait3A_106 = arith.constant 864 : i32
        %dma_wait3A_107 = arith.constant 0 : i32
        %dma_wait3A_108 = tpu.memref_slice %arg7[%add3A_34, %dma_wait3A_106, %dma_wait3A_107] : memref<4x1000x256xf32, #tpu.memory_space<hbm>> -> memref<1x136x256xf32, #tpu.memory_space<hbm>>
        %dma_wait3A_109 = tpu.memref_squeeze %dma_wait3A_108 : memref<1x136x256xf32, #tpu.memory_space<hbm>> -> memref<136x256xf32, #tpu.memory_space<hbm>>
        %dma_wait3A_110 = arith.constant 864 : i32
        %dma_wait3A_111 = arith.constant 0 : i32
        %dma_wait3A_112 = tpu.memref_slice %arg7[%add3A_34, %dma_wait3A_110, %dma_wait3A_111] : memref<4x1000x256xf32, #tpu.memory_space<hbm>> -> memref<1x136x256xf32, #tpu.memory_space<hbm>>
        %dma_wait3A_113 = tpu.memref_squeeze %dma_wait3A_112 : memref<1x136x256xf32, #tpu.memory_space<hbm>> -> memref<136x256xf32, #tpu.memory_space<hbm>>
        %dma_wait3A_114 = arith.constant 0 : i32
        %dma_wait3A_115 = arith.constant 0 : i32
        %dma_wait3A_116 = tpu.memref_slice %arg14[%dma_wait3A_114, %dma_wait3A_115] : memref<256x256xf32, #tpu.memory_space<vmem>> -> memref<136x256xf32, #tpu.memory_space<vmem>>
        tpu.wait_dma2 semaphore(%arg17 : memref<!tpu.dma_semaphore, #tpu.memory_space<semaphore_mem>>) src(%dma_wait3A_116 : memref<136x256xf32, #tpu.memory_space<vmem>>) dst(%dma_wait3A_113 : memref<136x256xf32, #tpu.memory_space<hbm>>)
      } else {
      }
    } else {
    }
    %barrier3A = arith.constant 0 : index
    tpu.barrier barrier_id(%barrier3A)
    %lt3A_9 = arith.constant 4 : i32
    %lt3A_10 = arith.cmpi slt, %add3A, %lt3A_9 : i32
    %convert_element_type3A_11 = arith.extui %lt3A_10 : i1 to i32
    %cond3A_12 = arith.constant 0 : i32
    %cond3A_13 = arith.cmpi ne, %convert_element_type3A_11, %cond3A_12 : i32
    scf.if %cond3A_13 {
      %get3A = arith.constant 0 : i32
      %get3A_14 = arith.index_cast %get3A : i32 to index
      %get3A_15 = memref.load %arg16[%get3A_14] : memref<1xi32, #tpu.memory_space<smem>>
      %ne3A = arith.constant 0 : i32
      %ne3A_16 = arith.cmpi ne, %get3A_15, %ne3A : i32
      %convert_element_type3A_17 = arith.extui %ne3A_16 : i1 to i32
      %cond3A_18 = arith.constant 0 : i32
      %cond3A_19 = arith.cmpi ne, %convert_element_type3A_17, %cond3A_18 : i32
      scf.if %cond3A_19 {
        %broadcast_in_dim3A = arith.constant 1.000000e+00 : f32
        %broadcast_in_dim3A_20 = vector.broadcast %broadcast_in_dim3A : f32 to vector<16xf32>
        %broadcast_in_dim3A_21 = arith.constant 0.000000e+00 : f32
        %broadcast_in_dim3A_22 = vector.broadcast %broadcast_in_dim3A_21 : f32 to vector<16xf32>
        %scan3A = arith.constant 0 : i32
        %scan3A_23 = arith.constant 0 : i32
        %scan3A_24 = arith.constant 63 : i32
        %scan3A_25 = arith.addi %scan3A_23, %scan3A_24 : i32
        %scan3A_26 = arith.constant 1 : i32
        %scan3A_27 = scf.for %scan3A_230 = %scan3A_23 to %scan3A_25 step %scan3A_26 iter_args(%scan3A_231 = %scan3A) -> (i32)  : i32 {
          %mul3A_232 = arith.constant 16 : i32
          %mul3A_233 = arith.muli %scan3A_230, %mul3A_232 : i32
          %swap3A = arith.index_cast %mul3A_233 : i32 to index
          %swap3A_234 = tpu.vector_load %arg13[%swap3A] {strides = array<i32>} : memref<1008xf32, #tpu.memory_space<vmem>>, vector<16xf32>,
          tpu.vector_store %arg13[%swap3A], %broadcast_in_dim3A_22 {strides = array<i32>} : memref<1008xf32, #tpu.memory_space<vmem>>, vector<16xf32>,
          %scan3A_235 = arith.constant 0 : i32
          scf.yield %scan3A_235 : i32
        }
        %scan3A_28 = arith.constant 63 : i32
        %scan3A_29 = arith.constant 0 : i32
        %scan3A_30 = arith.constant 0 : i32
        %scan3A_31 = arith.constant 63 : i32
        %scan3A_32 = arith.addi %scan3A_30, %scan3A_31 : i32
        %scan3A_33 = arith.constant 1 : i32
        %scan3A_34 = scf.for %scan3A_230 = %scan3A_30 to %scan3A_32 step %scan3A_33 iter_args(%scan3A_231 = %scan3A_29) -> (i32)  : i32 {
          %mul3A_232 = arith.constant 16 : i32
          %mul3A_233 = arith.muli %scan3A_230, %mul3A_232 : i32
          %get3A_234 = arith.index_cast %mul3A_233 : i32 to index
          %get3A_235 = tpu.vector_load %arg11[%get3A_234] {strides = array<i32>} : memref<1008xi32, #tpu.memory_space<vmem>>, vector<16xi32>,
          %mul3A_236 = arith.constant 16 : i32
          %mul3A_237 = arith.muli %scan3A_230, %mul3A_236 : i32
          %add3A_238 = vector.broadcast %mul3A_237 : i32 to vector<16xi32>
          %add3A_239 = arith.addi %iota3A, %add3A_238 : vector<16xi32>
          %lt3A_240 = arith.constant 1000 : i32
          %lt3A_241 = vector.broadcast %lt3A_240 : i32 to vector<16xi32>
          %lt3A_242 = arith.cmpi slt, %add3A_239, %lt3A_241 : vector<16xi32>
          tpu.vector_store_idx %arg13[%get3A_235], %broadcast_in_dim3A_20 masked %lt3A_242 {add = true} : memref<1008xf32, #tpu.memory_space<vmem>>[vector<16xi32>], vector<16xf32>, vector<16xi1>
          %scan3A_243 = arith.constant 0 : i32
          scf.yield %scan3A_243 : i32
        }
        %scan3A_35 = arith.constant 63 : i32
        %scan3A_36 = arith.constant 0 : i32
        %scan3A_37 = arith.constant 0 : i32
        %scan3A_38 = arith.constant 256 : i32
        %scan3A_39 = arith.addi %scan3A_37, %scan3A_38 : i32
        %scan3A_40 = arith.constant 1 : i32
        %scan3A_41 = scf.for %scan3A_230 = %scan3A_37 to %scan3A_39 step %scan3A_40 iter_args(%scan3A_231 = %scan3A_36) -> (i32)  : i32 {
          %scan3A_232 = arith.constant 0 : i32
          %scan3A_233 = arith.constant 0 : i32
          %scan3A_234 = arith.constant 16 : i32
          %scan3A_235 = arith.addi %scan3A_233, %scan3A_234 : i32
          %scan3A_236 = arith.constant 1 : i32
          %scan3A_237 = scf.for %scan3A_240 = %scan3A_233 to %scan3A_235 step %scan3A_236 iter_args(%scan3A_241 = %scan3A_232) -> (i32)  : i32 {
            %mul3A_242 = arith.constant 16 : i32
            %mul3A_243 = arith.muli %scan3A_240, %mul3A_242 : i32
            %swap3A = arith.index_cast %scan3A_230 : i32 to index
            %swap3A_244 = arith.index_cast %mul3A_243 : i32 to index
            %swap3A_245 = tpu.vector_load %arg14[%swap3A, %swap3A_244] {strides = array<i32>} : memref<256x256xf32, #tpu.memory_space<vmem>>, vector<16xf32>,
            tpu.vector_store %arg14[%swap3A, %swap3A_244], %broadcast_in_dim3A_22 {strides = array<i32>} : memref<256x256xf32, #tpu.memory_space<vmem>>, vector<16xf32>,
            %scan3A_246 = arith.constant 0 : i32
            scf.yield %scan3A_246 : i32
          }
          %scan3A_238 = arith.constant 16 : i32
          %scan3A_239 = arith.constant 0 : i32
          scf.yield %scan3A_239 : i32
        }
        %scan3A_42 = arith.constant 256 : i32
        %scan3A_43 = arith.constant 0 : i32
        %scan3A_44 = arith.constant 0 : i32
        %scan3A_45 = arith.constant 1000 : i32
        %scan3A_46 = arith.addi %scan3A_44, %scan3A_45 : i32
        %scan3A_47 = arith.constant 1 : i32
        %scan3A_48 = scf.for %scan3A_230 = %scan3A_44 to %scan3A_46 step %scan3A_47 iter_args(%scan3A_231 = %scan3A_43) -> (i32)  : i32 {
          %broadcast_in_dim3A_232 = vector.broadcast %scan3A_230 : i32 to vector<16xi32>
          %gather3A = tpu.vector_load_idx %arg11[%broadcast_in_dim3A_232] : memref<1008xi32, #tpu.memory_space<vmem>>[vector<16xi32>], vector<16xi32>,
          %reduce_min3A = arith.constant true
          %reduce_min3A_233 = vector.broadcast %reduce_min3A : i1 to vector<16xi1>
          %reduce_min3A_234 = arith.constant -2147483648 : i32
          %reduce_min3A_235 = vector.broadcast %reduce_min3A_234 : i32 to vector<16xi32>
          %reduce_min3A_236 = arith.xori %gather3A, %reduce_min3A_235 : vector<16xi32>
          %reduce_min3A_237 = tpu.scan <min>, %reduce_min3A_236 masked %reduce_min3A_233 : vector<16xi32>, vector<16xi1> -> vector<16xi32>
          %reduce_min3A_238 = arith.xori %reduce_min3A_237, %reduce_min3A_235 : vector<16xi32>
          %reduce_min3A_239 = vector.extract %reduce_min3A_238[15] : i32 from vector<16xi32>
          %ge3A_240 = arith.constant 0 : i32
          %ge3A_241 = arith.cmpi sge, %reduce_min3A_239, %ge3A_240 : i32
          %lt3A_242 = arith.constant 256 : i32
          %lt3A_243 = arith.cmpi slt, %reduce_min3A_239, %lt3A_242 : i32
          %and3A = arith.andi %ge3A_241, %lt3A_243 : i1
          %convert_element_type3A_244 = arith.extui %and3A : i1 to i32
          %cond3A_245 = arith.constant 0 : i32
          %cond3A_246 = arith.cmpi ne, %convert_element_type3A_244, %cond3A_245 : i32
          scf.if %cond3A_246 {
            %dma_start3A_248 = arith.constant 0 : i32
            %dma_start3A_249 = tpu.memref_slice %arg5[%add3A, %scan3A_230, %dma_start3A_248] : memref<4x1000x256xf32, #tpu.memory_space<hbm>> -> memref<1x1x256xf32, #tpu.memory_space<hbm>>
            %dma_start3A_250 = tpu.memref_squeeze %dma_start3A_249 : memref<1x1x256xf32, #tpu.memory_space<hbm>> -> memref<256xf32, #tpu.memory_space<hbm>>
            %dma_start3A_251 = arith.constant 0 : i32
            %dma_start3A_252 = tpu.memref_slice %arg5[%add3A, %scan3A_230, %dma_start3A_251] : memref<4x1000x256xf32, #tpu.memory_space<hbm>> -> memref<1x1x256xf32, #tpu.memory_space<hbm>>
            %dma_start3A_253 = tpu.memref_squeeze %dma_start3A_252 : memref<1x1x256xf32, #tpu.memory_space<hbm>> -> memref<256xf32, #tpu.memory_space<hbm>>
            tpu.enqueue_dma source(%dma_start3A_253 : memref<256xf32, #tpu.memory_space<hbm>>) target(%arg15 : memref<256xf32, #tpu.memory_space<vmem>>) target_semaphore(%arg17 : memref<!tpu.dma_semaphore, #tpu.memory_space<semaphore_mem>>)
            %dma_wait3A_254 = arith.constant 0 : i32
            %dma_wait3A_255 = tpu.memref_slice %arg5[%add3A, %scan3A_230, %dma_wait3A_254] : memref<4x1000x256xf32, #tpu.memory_space<hbm>> -> memref<1x1x256xf32, #tpu.memory_space<hbm>>
            %dma_wait3A_256 = tpu.memref_squeeze %dma_wait3A_255 : memref<1x1x256xf32, #tpu.memory_space<hbm>> -> memref<256xf32, #tpu.memory_space<hbm>>
            %dma_wait3A_257 = arith.constant 0 : i32
            %dma_wait3A_258 = tpu.memref_slice %arg5[%add3A, %scan3A_230, %dma_wait3A_257] : memref<4x1000x256xf32, #tpu.memory_space<hbm>> -> memref<1x1x256xf32, #tpu.memory_space<hbm>>
            %dma_wait3A_259 = tpu.memref_squeeze %dma_wait3A_258 : memref<1x1x256xf32, #tpu.memory_space<hbm>> -> memref<256xf32, #tpu.memory_space<hbm>>
            tpu.wait_dma2 semaphore(%arg17 : memref<!tpu.dma_semaphore, #tpu.memory_space<semaphore_mem>>) src(%dma_wait3A_259 : memref<256xf32, #tpu.memory_space<hbm>>) dst(%arg15 : memref<256xf32, #tpu.memory_space<vmem>>)
            %sub3A = arith.constant 0 : i32
            %sub3A_260 = arith.subi %reduce_min3A_239, %sub3A : i32
            %scan3A_261 = arith.constant 0 : i32
            %scan3A_262 = arith.constant 0 : i32
            %scan3A_263 = arith.constant 16 : i32
            %scan3A_264 = arith.addi %scan3A_262, %scan3A_263 : i32
            %scan3A_265 = arith.constant 1 : i32
            %scan3A_266 = scf.for %scan3A_268 = %scan3A_262 to %scan3A_264 step %scan3A_265 iter_args(%scan3A_269 = %scan3A_261) -> (i32)  : i32 {
              %mul3A_270 = arith.constant 16 : i32
              %mul3A_271 = arith.muli %scan3A_268, %mul3A_270 : i32
              %get3A_272 = arith.index_cast %sub3A_260 : i32 to index
              %get3A_273 = arith.index_cast %mul3A_271 : i32 to index
              %get3A_274 = tpu.vector_load %arg14[%get3A_272, %get3A_273] {strides = array<i32>} : memref<256x256xf32, #tpu.memory_space<vmem>>, vector<16xf32>,
              %get3A_275 = arith.index_cast %mul3A_271 : i32 to index
              %get3A_276 = tpu.vector_load %arg15[%get3A_275] {strides = array<i32>} : memref<256xf32, #tpu.memory_space<vmem>>, vector<16xf32>,
              %add3A_277 = arith.addf %get3A_274, %get3A_276 : vector<16xf32>
              %swap3A = arith.index_cast %sub3A_260 : i32 to index
              %swap3A_278 = arith.index_cast %mul3A_271 : i32 to index
              %swap3A_279 = tpu.vector_load %arg14[%swap3A, %swap3A_278] {strides = array<i32>} : memref<256x256xf32, #tpu.memory_space<vmem>>, vector<16xf32>,
              tpu.vector_store %arg14[%swap3A, %swap3A_278], %add3A_277 {strides = array<i32>} : memref<256x256xf32, #tpu.memory_space<vmem>>, vector<16xf32>,
              %scan3A_280 = arith.constant 0 : i32
              scf.yield %scan3A_280 : i32
            }
            %scan3A_267 = arith.constant 16 : i32
          } else {
          }
          %scan3A_247 = arith.constant 0 : i32
          scf.yield %scan3A_247 : i32
        }
        %scan3A_49 = arith.constant 1000 : i32
        %scan3A_50 = arith.constant 0 : i32
        %scan3A_51 = arith.constant 0 : i32
        %scan3A_52 = arith.constant 256 : i32
        %scan3A_53 = arith.addi %scan3A_51, %scan3A_52 : i32
        %scan3A_54 = arith.constant 1 : i32
        %scan3A_55 = scf.for %scan3A_230 = %scan3A_51 to %scan3A_53 step %scan3A_54 iter_args(%scan3A_231 = %scan3A_50) -> (i32)  : i32 {
          %add3A_232 = arith.constant 0 : i32
          %add3A_233 = arith.addi %add3A_232, %scan3A_230 : i32
          %broadcast_in_dim3A_234 = vector.broadcast %add3A_233 : i32 to vector<16xi32>
          %gather3A = tpu.vector_load_idx %arg13[%broadcast_in_dim3A_234] : memref<1008xf32, #tpu.memory_space<vmem>>[vector<16xi32>], vector<16xf32>,
          %max3A = arith.constant 1.000000e+00 : f32
          %max3A_235 = vector.broadcast %max3A : f32 to vector<16xf32>
          %max3A_236 = arith.maximumf %gather3A, %max3A_235 : vector<16xf32>
          %div3A = arith.divf %broadcast_in_dim3A_20, %max3A_236 : vector<16xf32>
          %scan3A_237 = arith.constant 0 : i32
          %scan3A_238 = arith.constant 0 : i32
          %scan3A_239 = arith.constant 16 : i32
          %scan3A_240 = arith.addi %scan3A_238, %scan3A_239 : i32
          %scan3A_241 = arith.constant 1 : i32
          %scan3A_242 = scf.for %scan3A_245 = %scan3A_238 to %scan3A_240 step %scan3A_241 iter_args(%scan3A_246 = %scan3A_237) -> (i32)  : i32 {
            %mul3A_247 = arith.constant 16 : i32
            %mul3A_248 = arith.muli %scan3A_245, %mul3A_247 : i32
            %get3A_249 = arith.index_cast %scan3A_230 : i32 to index
            %get3A_250 = arith.index_cast %mul3A_248 : i32 to index
            %get3A_251 = tpu.vector_load %arg14[%get3A_249, %get3A_250] {strides = array<i32>} : memref<256x256xf32, #tpu.memory_space<vmem>>, vector<16xf32>,
            %mul3A_252 = arith.mulf %get3A_251, %div3A : vector<16xf32>
            %swap3A = arith.index_cast %scan3A_230 : i32 to index
            %swap3A_253 = arith.index_cast %mul3A_248 : i32 to index
            %swap3A_254 = tpu.vector_load %arg14[%swap3A, %swap3A_253] {strides = array<i32>} : memref<256x256xf32, #tpu.memory_space<vmem>>, vector<16xf32>,
            tpu.vector_store %arg14[%swap3A, %swap3A_253], %mul3A_252 {strides = array<i32>} : memref<256x256xf32, #tpu.memory_space<vmem>>, vector<16xf32>,
            %scan3A_255 = arith.constant 0 : i32
            scf.yield %scan3A_255 : i32
          }
          %scan3A_243 = arith.constant 16 : i32
          %scan3A_244 = arith.constant 0 : i32
          scf.yield %scan3A_244 : i32
        }
        %scan3A_56 = arith.constant 256 : i32
        %dma_start3A = arith.constant 0 : i32
        %dma_start3A_57 = arith.constant 0 : i32
        %dma_start3A_58 = tpu.memref_slice %arg14[%dma_start3A, %dma_start3A_57] : memref<256x256xf32, #tpu.memory_space<vmem>> -> memref<256x256xf32, #tpu.memory_space<vmem>>
        %dma_start3A_59 = arith.constant 0 : i32
        %dma_start3A_60 = arith.constant 0 : i32
        %dma_start3A_61 = tpu.memref_slice %arg7[%add3A, %dma_start3A_59, %dma_start3A_60] : memref<4x1000x256xf32, #tpu.memory_space<hbm>> -> memref<1x256x256xf32, #tpu.memory_space<hbm>>
        %dma_start3A_62 = tpu.memref_squeeze %dma_start3A_61 : memref<1x256x256xf32, #tpu.memory_space<hbm>> -> memref<256x256xf32, #tpu.memory_space<hbm>>
        %dma_start3A_63 = arith.constant 0 : i32
        %dma_start3A_64 = arith.constant 0 : i32
        %dma_start3A_65 = tpu.memref_slice %arg7[%add3A, %dma_start3A_63, %dma_start3A_64] : memref<4x1000x256xf32, #tpu.memory_space<hbm>> -> memref<1x256x256xf32, #tpu.memory_space<hbm>>
        %dma_start3A_66 = tpu.memref_squeeze %dma_start3A_65 : memref<1x256x256xf32, #tpu.memory_space<hbm>> -> memref<256x256xf32, #tpu.memory_space<hbm>>
        %dma_start3A_67 = arith.constant 0 : i32
        %dma_start3A_68 = arith.constant 0 : i32
        %dma_start3A_69 = tpu.memref_slice %arg14[%dma_start3A_67, %dma_start3A_68] : memref<256x256xf32, #tpu.memory_space<vmem>> -> memref<256x256xf32, #tpu.memory_space<vmem>>
        tpu.enqueue_dma source(%dma_start3A_69 : memref<256x256xf32, #tpu.memory_space<vmem>>) target(%dma_start3A_66 : memref<256x256xf32, #tpu.memory_space<hbm>>) target_semaphore(%arg17 : memref<!tpu.dma_semaphore, #tpu.memory_space<semaphore_mem>>)
        %dma_wait3A = arith.constant 0 : i32
        %dma_wait3A_70 = arith.constant 0 : i32
        %dma_wait3A_71 = tpu.memref_slice %arg14[%dma_wait3A, %dma_wait3A_70] : memref<256x256xf32, #tpu.memory_space<vmem>> -> memref<256x256xf32, #tpu.memory_space<vmem>>
        %dma_wait3A_72 = arith.constant 0 : i32
        %dma_wait3A_73 = arith.constant 0 : i32
        %dma_wait3A_74 = tpu.memref_slice %arg7[%add3A, %dma_wait3A_72, %dma_wait3A_73] : memref<4x1000x256xf32, #tpu.memory_space<hbm>> -> memref<1x256x256xf32, #tpu.memory_space<hbm>>
        %dma_wait3A_75 = tpu.memref_squeeze %dma_wait3A_74 : memref<1x256x256xf32, #tpu.memory_space<hbm>> -> memref<256x256xf32, #tpu.memory_space<hbm>>
        %dma_wait3A_76 = arith.constant 0 : i32
        %dma_wait3A_77 = arith.constant 0 : i32
        %dma_wait3A_78 = tpu.memref_slice %arg7[%add3A, %dma_wait3A_76, %dma_wait3A_77] : memref<4x1000x256xf32, #tpu.memory_space<hbm>> -> memref<1x256x256xf32, #tpu.memory_space<hbm>>
        %dma_wait3A_79 = tpu.memref_squeeze %dma_wait3A_78 : memref<1x256x256xf32, #tpu.memory_space<hbm>> -> memref<256x256xf32, #tpu.memory_space<hbm>>
        %dma_wait3A_80 = arith.constant 0 : i32
        %dma_wait3A_81 = arith.constant 0 : i32
        %dma_wait3A_82 = tpu.memref_slice %arg14[%dma_wait3A_80, %dma_wait3A_81] : memref<256x256xf32, #tpu.memory_space<vmem>> -> memref<256x256xf32, #tpu.memory_space<vmem>>
        tpu.wait_dma2 semaphore(%arg17 : memref<!tpu.dma_semaphore, #tpu.memory_space<semaphore_mem>>) src(%dma_wait3A_82 : memref<256x256xf32, #tpu.memory_space<vmem>>) dst(%dma_wait3A_79 : memref<256x256xf32, #tpu.memory_space<hbm>>)
        %scan3A_83 = arith.constant 0 : i32
        %scan3A_84 = arith.constant 0 : i32
        %scan3A_85 = arith.constant 256 : i32
        %scan3A_86 = arith.addi %scan3A_84, %scan3A_85 : i32
        %scan3A_87 = arith.constant 1 : i32
        %scan3A_88 = scf.for %scan3A_230 = %scan3A_84 to %scan3A_86 step %scan3A_87 iter_args(%scan3A_231 = %scan3A_83) -> (i32)  : i32 {
          %scan3A_232 = arith.constant 0 : i32
          %scan3A_233 = arith.constant 0 : i32
          %scan3A_234 = arith.constant 16 : i32
          %scan3A_235 = arith.addi %scan3A_233, %scan3A_234 : i32
          %scan3A_236 = arith.constant 1 : i32
          %scan3A_237 = scf.for %scan3A_240 = %scan3A_233 to %scan3A_235 step %scan3A_236 iter_args(%scan3A_241 = %scan3A_232) -> (i32)  : i32 {
            %mul3A_242 = arith.constant 16 : i32
            %mul3A_243 = arith.muli %scan3A_240, %mul3A_242 : i32
            %swap3A = arith.index_cast %scan3A_230 : i32 to index
            %swap3A_244 = arith.index_cast %mul3A_243 : i32 to index
            %swap3A_245 = tpu.vector_load %arg14[%swap3A, %swap3A_244] {strides = array<i32>} : memref<256x256xf32, #tpu.memory_space<vmem>>, vector<16xf32>,
            tpu.vector_store %arg14[%swap3A, %swap3A_244], %broadcast_in_dim3A_22 {strides = array<i32>} : memref<256x256xf32, #tpu.memory_space<vmem>>, vector<16xf32>,
            %scan3A_246 = arith.constant 0 : i32
            scf.yield %scan3A_246 : i32
          }
          %scan3A_238 = arith.constant 16 : i32
          %scan3A_239 = arith.constant 0 : i32
          scf.yield %scan3A_239 : i32
        }
        %scan3A_89 = arith.constant 256 : i32
        %scan3A_90 = arith.constant 0 : i32
        %scan3A_91 = arith.constant 0 : i32
        %scan3A_92 = arith.constant 1000 : i32
        %scan3A_93 = arith.addi %scan3A_91, %scan3A_92 : i32
        %scan3A_94 = arith.constant 1 : i32
        %scan3A_95 = scf.for %scan3A_230 = %scan3A_91 to %scan3A_93 step %scan3A_94 iter_args(%scan3A_231 = %scan3A_90) -> (i32)  : i32 {
          %broadcast_in_dim3A_232 = vector.broadcast %scan3A_230 : i32 to vector<16xi32>
          %gather3A = tpu.vector_load_idx %arg11[%broadcast_in_dim3A_232] : memref<1008xi32, #tpu.memory_space<vmem>>[vector<16xi32>], vector<16xi32>,
          %reduce_min3A = arith.constant true
          %reduce_min3A_233 = vector.broadcast %reduce_min3A : i1 to vector<16xi1>
          %reduce_min3A_234 = arith.constant -2147483648 : i32
          %reduce_min3A_235 = vector.broadcast %reduce_min3A_234 : i32 to vector<16xi32>
          %reduce_min3A_236 = arith.xori %gather3A, %reduce_min3A_235 : vector<16xi32>
          %reduce_min3A_237 = tpu.scan <min>, %reduce_min3A_236 masked %reduce_min3A_233 : vector<16xi32>, vector<16xi1> -> vector<16xi32>
          %reduce_min3A_238 = arith.xori %reduce_min3A_237, %reduce_min3A_235 : vector<16xi32>
          %reduce_min3A_239 = vector.extract %reduce_min3A_238[15] : i32 from vector<16xi32>
          %ge3A_240 = arith.constant 256 : i32
          %ge3A_241 = arith.cmpi sge, %reduce_min3A_239, %ge3A_240 : i32
          %lt3A_242 = arith.constant 512 : i32
          %lt3A_243 = arith.cmpi slt, %reduce_min3A_239, %lt3A_242 : i32
          %and3A = arith.andi %ge3A_241, %lt3A_243 : i1
          %convert_element_type3A_244 = arith.extui %and3A : i1 to i32
          %cond3A_245 = arith.constant 0 : i32
          %cond3A_246 = arith.cmpi ne, %convert_element_type3A_244, %cond3A_245 : i32
          scf.if %cond3A_246 {
            %dma_start3A_248 = arith.constant 0 : i32
            %dma_start3A_249 = tpu.memref_slice %arg5[%add3A, %scan3A_230, %dma_start3A_248] : memref<4x1000x256xf32, #tpu.memory_space<hbm>> -> memref<1x1x256xf32, #tpu.memory_space<hbm>>
            %dma_start3A_250 = tpu.memref_squeeze %dma_start3A_249 : memref<1x1x256xf32, #tpu.memory_space<hbm>> -> memref<256xf32, #tpu.memory_space<hbm>>
            %dma_start3A_251 = arith.constant 0 : i32
            %dma_start3A_252 = tpu.memref_slice %arg5[%add3A, %scan3A_230, %dma_start3A_251] : memref<4x1000x256xf32, #tpu.memory_space<hbm>> -> memref<1x1x256xf32, #tpu.memory_space<hbm>>
            %dma_start3A_253 = tpu.memref_squeeze %dma_start3A_252 : memref<1x1x256xf32, #tpu.memory_space<hbm>> -> memref<256xf32, #tpu.memory_space<hbm>>
            tpu.enqueue_dma source(%dma_start3A_253 : memref<256xf32, #tpu.memory_space<hbm>>) target(%arg15 : memref<256xf32, #tpu.memory_space<vmem>>) target_semaphore(%arg17 : memref<!tpu.dma_semaphore, #tpu.memory_space<semaphore_mem>>)
            %dma_wait3A_254 = arith.constant 0 : i32
            %dma_wait3A_255 = tpu.memref_slice %arg5[%add3A, %scan3A_230, %dma_wait3A_254] : memref<4x1000x256xf32, #tpu.memory_space<hbm>> -> memref<1x1x256xf32, #tpu.memory_space<hbm>>
            %dma_wait3A_256 = tpu.memref_squeeze %dma_wait3A_255 : memref<1x1x256xf32, #tpu.memory_space<hbm>> -> memref<256xf32, #tpu.memory_space<hbm>>
            %dma_wait3A_257 = arith.constant 0 : i32
            %dma_wait3A_258 = tpu.memref_slice %arg5[%add3A, %scan3A_230, %dma_wait3A_257] : memref<4x1000x256xf32, #tpu.memory_space<hbm>> -> memref<1x1x256xf32, #tpu.memory_space<hbm>>
            %dma_wait3A_259 = tpu.memref_squeeze %dma_wait3A_258 : memref<1x1x256xf32, #tpu.memory_space<hbm>> -> memref<256xf32, #tpu.memory_space<hbm>>
            tpu.wait_dma2 semaphore(%arg17 : memref<!tpu.dma_semaphore, #tpu.memory_space<semaphore_mem>>) src(%dma_wait3A_259 : memref<256xf32, #tpu.memory_space<hbm>>) dst(%arg15 : memref<256xf32, #tpu.memory_space<vmem>>)
            %sub3A = arith.constant 256 : i32
            %sub3A_260 = arith.subi %reduce_min3A_239, %sub3A : i32
            %scan3A_261 = arith.constant 0 : i32
            %scan3A_262 = arith.constant 0 : i32
            %scan3A_263 = arith.constant 16 : i32
            %scan3A_264 = arith.addi %scan3A_262, %scan3A_263 : i32
            %scan3A_265 = arith.constant 1 : i32
            %scan3A_266 = scf.for %scan3A_268 = %scan3A_262 to %scan3A_264 step %scan3A_265 iter_args(%scan3A_269 = %scan3A_261) -> (i32)  : i32 {
              %mul3A_270 = arith.constant 16 : i32
              %mul3A_271 = arith.muli %scan3A_268, %mul3A_270 : i32
              %get3A_272 = arith.index_cast %sub3A_260 : i32 to index
              %get3A_273 = arith.index_cast %mul3A_271 : i32 to index
              %get3A_274 = tpu.vector_load %arg14[%get3A_272, %get3A_273] {strides = array<i32>} : memref<256x256xf32, #tpu.memory_space<vmem>>, vector<16xf32>,
              %get3A_275 = arith.index_cast %mul3A_271 : i32 to index
              %get3A_276 = tpu.vector_load %arg15[%get3A_275] {strides = array<i32>} : memref<256xf32, #tpu.memory_space<vmem>>, vector<16xf32>,
              %add3A_277 = arith.addf %get3A_274, %get3A_276 : vector<16xf32>
              %swap3A = arith.index_cast %sub3A_260 : i32 to index
              %swap3A_278 = arith.index_cast %mul3A_271 : i32 to index
              %swap3A_279 = tpu.vector_load %arg14[%swap3A, %swap3A_278] {strides = array<i32>} : memref<256x256xf32, #tpu.memory_space<vmem>>, vector<16xf32>,
              tpu.vector_store %arg14[%swap3A, %swap3A_278], %add3A_277 {strides = array<i32>} : memref<256x256xf32, #tpu.memory_space<vmem>>, vector<16xf32>,
              %scan3A_280 = arith.constant 0 : i32
              scf.yield %scan3A_280 : i32
            }
            %scan3A_267 = arith.constant 16 : i32
          } else {
          }
          %scan3A_247 = arith.constant 0 : i32
          scf.yield %scan3A_247 : i32
        }
        %scan3A_96 = arith.constant 1000 : i32
        %scan3A_97 = arith.constant 0 : i32
        %scan3A_98 = arith.constant 0 : i32
        %scan3A_99 = arith.constant 256 : i32
        %scan3A_100 = arith.addi %scan3A_98, %scan3A_99 : i32
        %scan3A_101 = arith.constant 1 : i32
        %scan3A_102 = scf.for %scan3A_230 = %scan3A_98 to %scan3A_100 step %scan3A_101 iter_args(%scan3A_231 = %scan3A_97) -> (i32)  : i32 {
          %add3A_232 = arith.constant 256 : i32
          %add3A_233 = arith.addi %add3A_232, %scan3A_230 : i32
          %broadcast_in_dim3A_234 = vector.broadcast %add3A_233 : i32 to vector<16xi32>
          %gather3A = tpu.vector_load_idx %arg13[%broadcast_in_dim3A_234] : memref<1008xf32, #tpu.memory_space<vmem>>[vector<16xi32>], vector<16xf32>,
          %max3A = arith.constant 1.000000e+00 : f32
          %max3A_235 = vector.broadcast %max3A : f32 to vector<16xf32>
          %max3A_236 = arith.maximumf %gather3A, %max3A_235 : vector<16xf32>
          %div3A = arith.divf %broadcast_in_dim3A_20, %max3A_236 : vector<16xf32>
          %scan3A_237 = arith.constant 0 : i32
          %scan3A_238 = arith.constant 0 : i32
          %scan3A_239 = arith.constant 16 : i32
          %scan3A_240 = arith.addi %scan3A_238, %scan3A_239 : i32
          %scan3A_241 = arith.constant 1 : i32
          %scan3A_242 = scf.for %scan3A_245 = %scan3A_238 to %scan3A_240 step %scan3A_241 iter_args(%scan3A_246 = %scan3A_237) -> (i32)  : i32 {
            %mul3A_247 = arith.constant 16 : i32
            %mul3A_248 = arith.muli %scan3A_245, %mul3A_247 : i32
            %get3A_249 = arith.index_cast %scan3A_230 : i32 to index
            %get3A_250 = arith.index_cast %mul3A_248 : i32 to index
            %get3A_251 = tpu.vector_load %arg14[%get3A_249, %get3A_250] {strides = array<i32>} : memref<256x256xf32, #tpu.memory_space<vmem>>, vector<16xf32>,
            %mul3A_252 = arith.mulf %get3A_251, %div3A : vector<16xf32>
            %swap3A = arith.index_cast %scan3A_230 : i32 to index
            %swap3A_253 = arith.index_cast %mul3A_248 : i32 to index
            %swap3A_254 = tpu.vector_load %arg14[%swap3A, %swap3A_253] {strides = array<i32>} : memref<256x256xf32, #tpu.memory_space<vmem>>, vector<16xf32>,
            tpu.vector_store %arg14[%swap3A, %swap3A_253], %mul3A_252 {strides = array<i32>} : memref<256x256xf32, #tpu.memory_space<vmem>>, vector<16xf32>,
            %scan3A_255 = arith.constant 0 : i32
            scf.yield %scan3A_255 : i32
          }
          %scan3A_243 = arith.constant 16 : i32
          %scan3A_244 = arith.constant 0 : i32
          scf.yield %scan3A_244 : i32
        }
        %scan3A_103 = arith.constant 256 : i32
        %dma_start3A_104 = arith.constant 0 : i32
        %dma_start3A_105 = arith.constant 0 : i32
        %dma_start3A_106 = tpu.memref_slice %arg14[%dma_start3A_104, %dma_start3A_105] : memref<256x256xf32, #tpu.memory_space<vmem>> -> memref<256x256xf32, #tpu.memory_space<vmem>>
        %dma_start3A_107 = arith.constant 256 : i32
        %dma_start3A_108 = arith.constant 0 : i32
        %dma_start3A_109 = tpu.memref_slice %arg7[%add3A, %dma_start3A_107, %dma_start3A_108] : memref<4x1000x256xf32, #tpu.memory_space<hbm>> -> memref<1x256x256xf32, #tpu.memory_space<hbm>>
        %dma_start3A_110 = tpu.memref_squeeze %dma_start3A_109 : memref<1x256x256xf32, #tpu.memory_space<hbm>> -> memref<256x256xf32, #tpu.memory_space<hbm>>
        %dma_start3A_111 = arith.constant 256 : i32
        %dma_start3A_112 = arith.constant 0 : i32
        %dma_start3A_113 = tpu.memref_slice %arg7[%add3A, %dma_start3A_111, %dma_start3A_112] : memref<4x1000x256xf32, #tpu.memory_space<hbm>> -> memref<1x256x256xf32, #tpu.memory_space<hbm>>
        %dma_start3A_114 = tpu.memref_squeeze %dma_start3A_113 : memref<1x256x256xf32, #tpu.memory_space<hbm>> -> memref<256x256xf32, #tpu.memory_space<hbm>>
        %dma_start3A_115 = arith.constant 0 : i32
        %dma_start3A_116 = arith.constant 0 : i32
        %dma_start3A_117 = tpu.memref_slice %arg14[%dma_start3A_115, %dma_start3A_116] : memref<256x256xf32, #tpu.memory_space<vmem>> -> memref<256x256xf32, #tpu.memory_space<vmem>>
        tpu.enqueue_dma source(%dma_start3A_117 : memref<256x256xf32, #tpu.memory_space<vmem>>) target(%dma_start3A_114 : memref<256x256xf32, #tpu.memory_space<hbm>>) target_semaphore(%arg17 : memref<!tpu.dma_semaphore, #tpu.memory_space<semaphore_mem>>)
        %dma_wait3A_118 = arith.constant 0 : i32
        %dma_wait3A_119 = arith.constant 0 : i32
        %dma_wait3A_120 = tpu.memref_slice %arg14[%dma_wait3A_118, %dma_wait3A_119] : memref<256x256xf32, #tpu.memory_space<vmem>> -> memref<256x256xf32, #tpu.memory_space<vmem>>
        %dma_wait3A_121 = arith.constant 256 : i32
        %dma_wait3A_122 = arith.constant 0 : i32
        %dma_wait3A_123 = tpu.memref_slice %arg7[%add3A, %dma_wait3A_121, %dma_wait3A_122] : memref<4x1000x256xf32, #tpu.memory_space<hbm>> -> memref<1x256x256xf32, #tpu.memory_space<hbm>>
        %dma_wait3A_124 = tpu.memref_squeeze %dma_wait3A_123 : memref<1x256x256xf32, #tpu.memory_space<hbm>> -> memref<256x256xf32, #tpu.memory_space<hbm>>
        %dma_wait3A_125 = arith.constant 256 : i32
        %dma_wait3A_126 = arith.constant 0 : i32
        %dma_wait3A_127 = tpu.memref_slice %arg7[%add3A, %dma_wait3A_125, %dma_wait3A_126] : memref<4x1000x256xf32, #tpu.memory_space<hbm>> -> memref<1x256x256xf32, #tpu.memory_space<hbm>>
        %dma_wait3A_128 = tpu.memref_squeeze %dma_wait3A_127 : memref<1x256x256xf32, #tpu.memory_space<hbm>> -> memref<256x256xf32, #tpu.memory_space<hbm>>
        %dma_wait3A_129 = arith.constant 0 : i32
        %dma_wait3A_130 = arith.constant 0 : i32
        %dma_wait3A_131 = tpu.memref_slice %arg14[%dma_wait3A_129, %dma_wait3A_130] : memref<256x256xf32, #tpu.memory_space<vmem>> -> memref<256x256xf32, #tpu.memory_space<vmem>>
        tpu.wait_dma2 semaphore(%arg17 : memref<!tpu.dma_semaphore, #tpu.memory_space<semaphore_mem>>) src(%dma_wait3A_131 : memref<256x256xf32, #tpu.memory_space<vmem>>) dst(%dma_wait3A_128 : memref<256x256xf32, #tpu.memory_space<hbm>>)
        %scan3A_132 = arith.constant 0 : i32
        %scan3A_133 = arith.constant 0 : i32
        %scan3A_134 = arith.constant 256 : i32
        %scan3A_135 = arith.addi %scan3A_133, %scan3A_134 : i32
        %scan3A_136 = arith.constant 1 : i32
        %scan3A_137 = scf.for %scan3A_230 = %scan3A_133 to %scan3A_135 step %scan3A_136 iter_args(%scan3A_231 = %scan3A_132) -> (i32)  : i32 {
          %scan3A_232 = arith.constant 0 : i32
          %scan3A_233 = arith.constant 0 : i32
          %scan3A_234 = arith.constant 16 : i32
          %scan3A_235 = arith.addi %scan3A_233, %scan3A_234 : i32
          %scan3A_236 = arith.constant 1 : i32
          %scan3A_237 = scf.for %scan3A_240 = %scan3A_233 to %scan3A_235 step %scan3A_236 iter_args(%scan3A_241 = %scan3A_232) -> (i32)  : i32 {
            %mul3A_242 = arith.constant 16 : i32
            %mul3A_243 = arith.muli %scan3A_240, %mul3A_242 : i32
            %swap3A = arith.index_cast %scan3A_230 : i32 to index
            %swap3A_244 = arith.index_cast %mul3A_243 : i32 to index
            %swap3A_245 = tpu.vector_load %arg14[%swap3A, %swap3A_244] {strides = array<i32>} : memref<256x256xf32, #tpu.memory_space<vmem>>, vector<16xf32>,
            tpu.vector_store %arg14[%swap3A, %swap3A_244], %broadcast_in_dim3A_22 {strides = array<i32>} : memref<256x256xf32, #tpu.memory_space<vmem>>, vector<16xf32>,
            %scan3A_246 = arith.constant 0 : i32
            scf.yield %scan3A_246 : i32
          }
          %scan3A_238 = arith.constant 16 : i32
          %scan3A_239 = arith.constant 0 : i32
          scf.yield %scan3A_239 : i32
        }
        %scan3A_138 = arith.constant 256 : i32
        %scan3A_139 = arith.constant 0 : i32
        %scan3A_140 = arith.constant 0 : i32
        %scan3A_141 = arith.constant 1000 : i32
        %scan3A_142 = arith.addi %scan3A_140, %scan3A_141 : i32
        %scan3A_143 = arith.constant 1 : i32
        %scan3A_144 = scf.for %scan3A_230 = %scan3A_140 to %scan3A_142 step %scan3A_143 iter_args(%scan3A_231 = %scan3A_139) -> (i32)  : i32 {
          %broadcast_in_dim3A_232 = vector.broadcast %scan3A_230 : i32 to vector<16xi32>
          %gather3A = tpu.vector_load_idx %arg11[%broadcast_in_dim3A_232] : memref<1008xi32, #tpu.memory_space<vmem>>[vector<16xi32>], vector<16xi32>,
          %reduce_min3A = arith.constant true
          %reduce_min3A_233 = vector.broadcast %reduce_min3A : i1 to vector<16xi1>
          %reduce_min3A_234 = arith.constant -2147483648 : i32
          %reduce_min3A_235 = vector.broadcast %reduce_min3A_234 : i32 to vector<16xi32>
          %reduce_min3A_236 = arith.xori %gather3A, %reduce_min3A_235 : vector<16xi32>
          %reduce_min3A_237 = tpu.scan <min>, %reduce_min3A_236 masked %reduce_min3A_233 : vector<16xi32>, vector<16xi1> -> vector<16xi32>
          %reduce_min3A_238 = arith.xori %reduce_min3A_237, %reduce_min3A_235 : vector<16xi32>
          %reduce_min3A_239 = vector.extract %reduce_min3A_238[15] : i32 from vector<16xi32>
          %ge3A_240 = arith.constant 512 : i32
          %ge3A_241 = arith.cmpi sge, %reduce_min3A_239, %ge3A_240 : i32
          %lt3A_242 = arith.constant 768 : i32
          %lt3A_243 = arith.cmpi slt, %reduce_min3A_239, %lt3A_242 : i32
          %and3A = arith.andi %ge3A_241, %lt3A_243 : i1
          %convert_element_type3A_244 = arith.extui %and3A : i1 to i32
          %cond3A_245 = arith.constant 0 : i32
          %cond3A_246 = arith.cmpi ne, %convert_element_type3A_244, %cond3A_245 : i32
          scf.if %cond3A_246 {
            %dma_start3A_248 = arith.constant 0 : i32
            %dma_start3A_249 = tpu.memref_slice %arg5[%add3A, %scan3A_230, %dma_start3A_248] : memref<4x1000x256xf32, #tpu.memory_space<hbm>> -> memref<1x1x256xf32, #tpu.memory_space<hbm>>
            %dma_start3A_250 = tpu.memref_squeeze %dma_start3A_249 : memref<1x1x256xf32, #tpu.memory_space<hbm>> -> memref<256xf32, #tpu.memory_space<hbm>>
            %dma_start3A_251 = arith.constant 0 : i32
            %dma_start3A_252 = tpu.memref_slice %arg5[%add3A, %scan3A_230, %dma_start3A_251] : memref<4x1000x256xf32, #tpu.memory_space<hbm>> -> memref<1x1x256xf32, #tpu.memory_space<hbm>>
            %dma_start3A_253 = tpu.memref_squeeze %dma_start3A_252 : memref<1x1x256xf32, #tpu.memory_space<hbm>> -> memref<256xf32, #tpu.memory_space<hbm>>
            tpu.enqueue_dma source(%dma_start3A_253 : memref<256xf32, #tpu.memory_space<hbm>>) target(%arg15 : memref<256xf32, #tpu.memory_space<vmem>>) target_semaphore(%arg17 : memref<!tpu.dma_semaphore, #tpu.memory_space<semaphore_mem>>)
            %dma_wait3A_254 = arith.constant 0 : i32
            %dma_wait3A_255 = tpu.memref_slice %arg5[%add3A, %scan3A_230, %dma_wait3A_254] : memref<4x1000x256xf32, #tpu.memory_space<hbm>> -> memref<1x1x256xf32, #tpu.memory_space<hbm>>
            %dma_wait3A_256 = tpu.memref_squeeze %dma_wait3A_255 : memref<1x1x256xf32, #tpu.memory_space<hbm>> -> memref<256xf32, #tpu.memory_space<hbm>>
            %dma_wait3A_257 = arith.constant 0 : i32
            %dma_wait3A_258 = tpu.memref_slice %arg5[%add3A, %scan3A_230, %dma_wait3A_257] : memref<4x1000x256xf32, #tpu.memory_space<hbm>> -> memref<1x1x256xf32, #tpu.memory_space<hbm>>
            %dma_wait3A_259 = tpu.memref_squeeze %dma_wait3A_258 : memref<1x1x256xf32, #tpu.memory_space<hbm>> -> memref<256xf32, #tpu.memory_space<hbm>>
            tpu.wait_dma2 semaphore(%arg17 : memref<!tpu.dma_semaphore, #tpu.memory_space<semaphore_mem>>) src(%dma_wait3A_259 : memref<256xf32, #tpu.memory_space<hbm>>) dst(%arg15 : memref<256xf32, #tpu.memory_space<vmem>>)
            %sub3A = arith.constant 512 : i32
            %sub3A_260 = arith.subi %reduce_min3A_239, %sub3A : i32
            %scan3A_261 = arith.constant 0 : i32
            %scan3A_262 = arith.constant 0 : i32
            %scan3A_263 = arith.constant 16 : i32
            %scan3A_264 = arith.addi %scan3A_262, %scan3A_263 : i32
            %scan3A_265 = arith.constant 1 : i32
            %scan3A_266 = scf.for %scan3A_268 = %scan3A_262 to %scan3A_264 step %scan3A_265 iter_args(%scan3A_269 = %scan3A_261) -> (i32)  : i32 {
              %mul3A_270 = arith.constant 16 : i32
              %mul3A_271 = arith.muli %scan3A_268, %mul3A_270 : i32
              %get3A_272 = arith.index_cast %sub3A_260 : i32 to index
              %get3A_273 = arith.index_cast %mul3A_271 : i32 to index
              %get3A_274 = tpu.vector_load %arg14[%get3A_272, %get3A_273] {strides = array<i32>} : memref<256x256xf32, #tpu.memory_space<vmem>>, vector<16xf32>,
              %get3A_275 = arith.index_cast %mul3A_271 : i32 to index
              %get3A_276 = tpu.vector_load %arg15[%get3A_275] {strides = array<i32>} : memref<256xf32, #tpu.memory_space<vmem>>, vector<16xf32>,
              %add3A_277 = arith.addf %get3A_274, %get3A_276 : vector<16xf32>
              %swap3A = arith.index_cast %sub3A_260 : i32 to index
              %swap3A_278 = arith.index_cast %mul3A_271 : i32 to index
              %swap3A_279 = tpu.vector_load %arg14[%swap3A, %swap3A_278] {strides = array<i32>} : memref<256x256xf32, #tpu.memory_space<vmem>>, vector<16xf32>,
              tpu.vector_store %arg14[%swap3A, %swap3A_278], %add3A_277 {strides = array<i32>} : memref<256x256xf32, #tpu.memory_space<vmem>>, vector<16xf32>,
              %scan3A_280 = arith.constant 0 : i32
              scf.yield %scan3A_280 : i32
            }
            %scan3A_267 = arith.constant 16 : i32
          } else {
          }
          %scan3A_247 = arith.constant 0 : i32
          scf.yield %scan3A_247 : i32
        }
        %scan3A_145 = arith.constant 1000 : i32
        %scan3A_146 = arith.constant 0 : i32
        %scan3A_147 = arith.constant 0 : i32
        %scan3A_148 = arith.constant 256 : i32
        %scan3A_149 = arith.addi %scan3A_147, %scan3A_148 : i32
        %scan3A_150 = arith.constant 1 : i32
        %scan3A_151 = scf.for %scan3A_230 = %scan3A_147 to %scan3A_149 step %scan3A_150 iter_args(%scan3A_231 = %scan3A_146) -> (i32)  : i32 {
          %add3A_232 = arith.constant 512 : i32
          %add3A_233 = arith.addi %add3A_232, %scan3A_230 : i32
          %broadcast_in_dim3A_234 = vector.broadcast %add3A_233 : i32 to vector<16xi32>
          %gather3A = tpu.vector_load_idx %arg13[%broadcast_in_dim3A_234] : memref<1008xf32, #tpu.memory_space<vmem>>[vector<16xi32>], vector<16xf32>,
          %max3A = arith.constant 1.000000e+00 : f32
          %max3A_235 = vector.broadcast %max3A : f32 to vector<16xf32>
          %max3A_236 = arith.maximumf %gather3A, %max3A_235 : vector<16xf32>
          %div3A = arith.divf %broadcast_in_dim3A_20, %max3A_236 : vector<16xf32>
          %scan3A_237 = arith.constant 0 : i32
          %scan3A_238 = arith.constant 0 : i32
          %scan3A_239 = arith.constant 16 : i32
          %scan3A_240 = arith.addi %scan3A_238, %scan3A_239 : i32
          %scan3A_241 = arith.constant 1 : i32
          %scan3A_242 = scf.for %scan3A_245 = %scan3A_238 to %scan3A_240 step %scan3A_241 iter_args(%scan3A_246 = %scan3A_237) -> (i32)  : i32 {
            %mul3A_247 = arith.constant 16 : i32
            %mul3A_248 = arith.muli %scan3A_245, %mul3A_247 : i32
            %get3A_249 = arith.index_cast %scan3A_230 : i32 to index
            %get3A_250 = arith.index_cast %mul3A_248 : i32 to index
            %get3A_251 = tpu.vector_load %arg14[%get3A_249, %get3A_250] {strides = array<i32>} : memref<256x256xf32, #tpu.memory_space<vmem>>, vector<16xf32>,
            %mul3A_252 = arith.mulf %get3A_251, %div3A : vector<16xf32>
            %swap3A = arith.index_cast %scan3A_230 : i32 to index
            %swap3A_253 = arith.index_cast %mul3A_248 : i32 to index
            %swap3A_254 = tpu.vector_load %arg14[%swap3A, %swap3A_253] {strides = array<i32>} : memref<256x256xf32, #tpu.memory_space<vmem>>, vector<16xf32>,
            tpu.vector_store %arg14[%swap3A, %swap3A_253], %mul3A_252 {strides = array<i32>} : memref<256x256xf32, #tpu.memory_space<vmem>>, vector<16xf32>,
            %scan3A_255 = arith.constant 0 : i32
            scf.yield %scan3A_255 : i32
          }
          %scan3A_243 = arith.constant 16 : i32
          %scan3A_244 = arith.constant 0 : i32
          scf.yield %scan3A_244 : i32
        }
        %scan3A_152 = arith.constant 256 : i32
        %dma_start3A_153 = arith.constant 0 : i32
        %dma_start3A_154 = arith.constant 0 : i32
        %dma_start3A_155 = tpu.memref_slice %arg14[%dma_start3A_153, %dma_start3A_154] : memref<256x256xf32, #tpu.memory_space<vmem>> -> memref<256x256xf32, #tpu.memory_space<vmem>>
        %dma_start3A_156 = arith.constant 512 : i32
        %dma_start3A_157 = arith.constant 0 : i32
        %dma_start3A_158 = tpu.memref_slice %arg7[%add3A, %dma_start3A_156, %dma_start3A_157] : memref<4x1000x256xf32, #tpu.memory_space<hbm>> -> memref<1x256x256xf32, #tpu.memory_space<hbm>>
        %dma_start3A_159 = tpu.memref_squeeze %dma_start3A_158 : memref<1x256x256xf32, #tpu.memory_space<hbm>> -> memref<256x256xf32, #tpu.memory_space<hbm>>
        %dma_start3A_160 = arith.constant 512 : i32
        %dma_start3A_161 = arith.constant 0 : i32
        %dma_start3A_162 = tpu.memref_slice %arg7[%add3A, %dma_start3A_160, %dma_start3A_161] : memref<4x1000x256xf32, #tpu.memory_space<hbm>> -> memref<1x256x256xf32, #tpu.memory_space<hbm>>
        %dma_start3A_163 = tpu.memref_squeeze %dma_start3A_162 : memref<1x256x256xf32, #tpu.memory_space<hbm>> -> memref<256x256xf32, #tpu.memory_space<hbm>>
        %dma_start3A_164 = arith.constant 0 : i32
        %dma_start3A_165 = arith.constant 0 : i32
        %dma_start3A_166 = tpu.memref_slice %arg14[%dma_start3A_164, %dma_start3A_165] : memref<256x256xf32, #tpu.memory_space<vmem>> -> memref<256x256xf32, #tpu.memory_space<vmem>>
        tpu.enqueue_dma source(%dma_start3A_166 : memref<256x256xf32, #tpu.memory_space<vmem>>) target(%dma_start3A_163 : memref<256x256xf32, #tpu.memory_space<hbm>>) target_semaphore(%arg17 : memref<!tpu.dma_semaphore, #tpu.memory_space<semaphore_mem>>)
        %dma_wait3A_167 = arith.constant 0 : i32
        %dma_wait3A_168 = arith.constant 0 : i32
        %dma_wait3A_169 = tpu.memref_slice %arg14[%dma_wait3A_167, %dma_wait3A_168] : memref<256x256xf32, #tpu.memory_space<vmem>> -> memref<256x256xf32, #tpu.memory_space<vmem>>
        %dma_wait3A_170 = arith.constant 512 : i32
        %dma_wait3A_171 = arith.constant 0 : i32
        %dma_wait3A_172 = tpu.memref_slice %arg7[%add3A, %dma_wait3A_170, %dma_wait3A_171] : memref<4x1000x256xf32, #tpu.memory_space<hbm>> -> memref<1x256x256xf32, #tpu.memory_space<hbm>>
        %dma_wait3A_173 = tpu.memref_squeeze %dma_wait3A_172 : memref<1x256x256xf32, #tpu.memory_space<hbm>> -> memref<256x256xf32, #tpu.memory_space<hbm>>
        %dma_wait3A_174 = arith.constant 512 : i32
        %dma_wait3A_175 = arith.constant 0 : i32
        %dma_wait3A_176 = tpu.memref_slice %arg7[%add3A, %dma_wait3A_174, %dma_wait3A_175] : memref<4x1000x256xf32, #tpu.memory_space<hbm>> -> memref<1x256x256xf32, #tpu.memory_space<hbm>>
        %dma_wait3A_177 = tpu.memref_squeeze %dma_wait3A_176 : memref<1x256x256xf32, #tpu.memory_space<hbm>> -> memref<256x256xf32, #tpu.memory_space<hbm>>
        %dma_wait3A_178 = arith.constant 0 : i32
        %dma_wait3A_179 = arith.constant 0 : i32
        %dma_wait3A_180 = tpu.memref_slice %arg14[%dma_wait3A_178, %dma_wait3A_179] : memref<256x256xf32, #tpu.memory_space<vmem>> -> memref<256x256xf32, #tpu.memory_space<vmem>>
        tpu.wait_dma2 semaphore(%arg17 : memref<!tpu.dma_semaphore, #tpu.memory_space<semaphore_mem>>) src(%dma_wait3A_180 : memref<256x256xf32, #tpu.memory_space<vmem>>) dst(%dma_wait3A_177 : memref<256x256xf32, #tpu.memory_space<hbm>>)
        %scan3A_181 = arith.constant 0 : i32
        %scan3A_182 = arith.constant 0 : i32
        %scan3A_183 = arith.constant 256 : i32
        %scan3A_184 = arith.addi %scan3A_182, %scan3A_183 : i32
        %scan3A_185 = arith.constant 1 : i32
        %scan3A_186 = scf.for %scan3A_230 = %scan3A_182 to %scan3A_184 step %scan3A_185 iter_args(%scan3A_231 = %scan3A_181) -> (i32)  : i32 {
          %scan3A_232 = arith.constant 0 : i32
          %scan3A_233 = arith.constant 0 : i32
          %scan3A_234 = arith.constant 16 : i32
          %scan3A_235 = arith.addi %scan3A_233, %scan3A_234 : i32
          %scan3A_236 = arith.constant 1 : i32
          %scan3A_237 = scf.for %scan3A_240 = %scan3A_233 to %scan3A_235 step %scan3A_236 iter_args(%scan3A_241 = %scan3A_232) -> (i32)  : i32 {
            %mul3A_242 = arith.constant 16 : i32
            %mul3A_243 = arith.muli %scan3A_240, %mul3A_242 : i32
            %swap3A = arith.index_cast %scan3A_230 : i32 to index
            %swap3A_244 = arith.index_cast %mul3A_243 : i32 to index
            %swap3A_245 = tpu.vector_load %arg14[%swap3A, %swap3A_244] {strides = array<i32>} : memref<256x256xf32, #tpu.memory_space<vmem>>, vector<16xf32>,
            tpu.vector_store %arg14[%swap3A, %swap3A_244], %broadcast_in_dim3A_22 {strides = array<i32>} : memref<256x256xf32, #tpu.memory_space<vmem>>, vector<16xf32>,
            %scan3A_246 = arith.constant 0 : i32
            scf.yield %scan3A_246 : i32
          }
          %scan3A_238 = arith.constant 16 : i32
          %scan3A_239 = arith.constant 0 : i32
          scf.yield %scan3A_239 : i32
        }
        %scan3A_187 = arith.constant 256 : i32
        %scan3A_188 = arith.constant 0 : i32
        %scan3A_189 = arith.constant 0 : i32
        %scan3A_190 = arith.constant 1000 : i32
        %scan3A_191 = arith.addi %scan3A_189, %scan3A_190 : i32
        %scan3A_192 = arith.constant 1 : i32
        %scan3A_193 = scf.for %scan3A_230 = %scan3A_189 to %scan3A_191 step %scan3A_192 iter_args(%scan3A_231 = %scan3A_188) -> (i32)  : i32 {
          %broadcast_in_dim3A_232 = vector.broadcast %scan3A_230 : i32 to vector<16xi32>
          %gather3A = tpu.vector_load_idx %arg11[%broadcast_in_dim3A_232] : memref<1008xi32, #tpu.memory_space<vmem>>[vector<16xi32>], vector<16xi32>,
          %reduce_min3A = arith.constant true
          %reduce_min3A_233 = vector.broadcast %reduce_min3A : i1 to vector<16xi1>
          %reduce_min3A_234 = arith.constant -2147483648 : i32
          %reduce_min3A_235 = vector.broadcast %reduce_min3A_234 : i32 to vector<16xi32>
          %reduce_min3A_236 = arith.xori %gather3A, %reduce_min3A_235 : vector<16xi32>
          %reduce_min3A_237 = tpu.scan <min>, %reduce_min3A_236 masked %reduce_min3A_233 : vector<16xi32>, vector<16xi1> -> vector<16xi32>
          %reduce_min3A_238 = arith.xori %reduce_min3A_237, %reduce_min3A_235 : vector<16xi32>
          %reduce_min3A_239 = vector.extract %reduce_min3A_238[15] : i32 from vector<16xi32>
          %ge3A_240 = arith.constant 768 : i32
          %ge3A_241 = arith.cmpi sge, %reduce_min3A_239, %ge3A_240 : i32
          %lt3A_242 = arith.constant 1024 : i32
          %lt3A_243 = arith.cmpi slt, %reduce_min3A_239, %lt3A_242 : i32
          %and3A = arith.andi %ge3A_241, %lt3A_243 : i1
          %convert_element_type3A_244 = arith.extui %and3A : i1 to i32
          %cond3A_245 = arith.constant 0 : i32
          %cond3A_246 = arith.cmpi ne, %convert_element_type3A_244, %cond3A_245 : i32
          scf.if %cond3A_246 {
            %dma_start3A_248 = arith.constant 0 : i32
            %dma_start3A_249 = tpu.memref_slice %arg5[%add3A, %scan3A_230, %dma_start3A_248] : memref<4x1000x256xf32, #tpu.memory_space<hbm>> -> memref<1x1x256xf32, #tpu.memory_space<hbm>>
            %dma_start3A_250 = tpu.memref_squeeze %dma_start3A_249 : memref<1x1x256xf32, #tpu.memory_space<hbm>> -> memref<256xf32, #tpu.memory_space<hbm>>
            %dma_start3A_251 = arith.constant 0 : i32
            %dma_start3A_252 = tpu.memref_slice %arg5[%add3A, %scan3A_230, %dma_start3A_251] : memref<4x1000x256xf32, #tpu.memory_space<hbm>> -> memref<1x1x256xf32, #tpu.memory_space<hbm>>
            %dma_start3A_253 = tpu.memref_squeeze %dma_start3A_252 : memref<1x1x256xf32, #tpu.memory_space<hbm>> -> memref<256xf32, #tpu.memory_space<hbm>>
            tpu.enqueue_dma source(%dma_start3A_253 : memref<256xf32, #tpu.memory_space<hbm>>) target(%arg15 : memref<256xf32, #tpu.memory_space<vmem>>) target_semaphore(%arg17 : memref<!tpu.dma_semaphore, #tpu.memory_space<semaphore_mem>>)
            %dma_wait3A_254 = arith.constant 0 : i32
            %dma_wait3A_255 = tpu.memref_slice %arg5[%add3A, %scan3A_230, %dma_wait3A_254] : memref<4x1000x256xf32, #tpu.memory_space<hbm>> -> memref<1x1x256xf32, #tpu.memory_space<hbm>>
            %dma_wait3A_256 = tpu.memref_squeeze %dma_wait3A_255 : memref<1x1x256xf32, #tpu.memory_space<hbm>> -> memref<256xf32, #tpu.memory_space<hbm>>
            %dma_wait3A_257 = arith.constant 0 : i32
            %dma_wait3A_258 = tpu.memref_slice %arg5[%add3A, %scan3A_230, %dma_wait3A_257] : memref<4x1000x256xf32, #tpu.memory_space<hbm>> -> memref<1x1x256xf32, #tpu.memory_space<hbm>>
            %dma_wait3A_259 = tpu.memref_squeeze %dma_wait3A_258 : memref<1x1x256xf32, #tpu.memory_space<hbm>> -> memref<256xf32, #tpu.memory_space<hbm>>
            tpu.wait_dma2 semaphore(%arg17 : memref<!tpu.dma_semaphore, #tpu.memory_space<semaphore_mem>>) src(%dma_wait3A_259 : memref<256xf32, #tpu.memory_space<hbm>>) dst(%arg15 : memref<256xf32, #tpu.memory_space<vmem>>)
            %sub3A = arith.constant 768 : i32
            %sub3A_260 = arith.subi %reduce_min3A_239, %sub3A : i32
            %scan3A_261 = arith.constant 0 : i32
            %scan3A_262 = arith.constant 0 : i32
            %scan3A_263 = arith.constant 16 : i32
            %scan3A_264 = arith.addi %scan3A_262, %scan3A_263 : i32
            %scan3A_265 = arith.constant 1 : i32
            %scan3A_266 = scf.for %scan3A_268 = %scan3A_262 to %scan3A_264 step %scan3A_265 iter_args(%scan3A_269 = %scan3A_261) -> (i32)  : i32 {
              %mul3A_270 = arith.constant 16 : i32
              %mul3A_271 = arith.muli %scan3A_268, %mul3A_270 : i32
              %get3A_272 = arith.index_cast %sub3A_260 : i32 to index
              %get3A_273 = arith.index_cast %mul3A_271 : i32 to index
              %get3A_274 = tpu.vector_load %arg14[%get3A_272, %get3A_273] {strides = array<i32>} : memref<256x256xf32, #tpu.memory_space<vmem>>, vector<16xf32>,
              %get3A_275 = arith.index_cast %mul3A_271 : i32 to index
              %get3A_276 = tpu.vector_load %arg15[%get3A_275] {strides = array<i32>} : memref<256xf32, #tpu.memory_space<vmem>>, vector<16xf32>,
              %add3A_277 = arith.addf %get3A_274, %get3A_276 : vector<16xf32>
              %swap3A = arith.index_cast %sub3A_260 : i32 to index
              %swap3A_278 = arith.index_cast %mul3A_271 : i32 to index
              %swap3A_279 = tpu.vector_load %arg14[%swap3A, %swap3A_278] {strides = array<i32>} : memref<256x256xf32, #tpu.memory_space<vmem>>, vector<16xf32>,
              tpu.vector_store %arg14[%swap3A, %swap3A_278], %add3A_277 {strides = array<i32>} : memref<256x256xf32, #tpu.memory_space<vmem>>, vector<16xf32>,
              %scan3A_280 = arith.constant 0 : i32
              scf.yield %scan3A_280 : i32
            }
            %scan3A_267 = arith.constant 16 : i32
          } else {
          }
          %scan3A_247 = arith.constant 0 : i32
          scf.yield %scan3A_247 : i32
        }
        %scan3A_194 = arith.constant 1000 : i32
        %scan3A_195 = arith.constant 0 : i32
        %scan3A_196 = arith.constant 0 : i32
        %scan3A_197 = arith.constant 232 : i32
        %scan3A_198 = arith.addi %scan3A_196, %scan3A_197 : i32
        %scan3A_199 = arith.constant 1 : i32
        %scan3A_200 = scf.for %scan3A_230 = %scan3A_196 to %scan3A_198 step %scan3A_199 iter_args(%scan3A_231 = %scan3A_195) -> (i32)  : i32 {
          %add3A_232 = arith.constant 768 : i32
          %add3A_233 = arith.addi %add3A_232, %scan3A_230 : i32
          %broadcast_in_dim3A_234 = vector.broadcast %add3A_233 : i32 to vector<16xi32>
          %gather3A = tpu.vector_load_idx %arg13[%broadcast_in_dim3A_234] : memref<1008xf32, #tpu.memory_space<vmem>>[vector<16xi32>], vector<16xf32>,
          %max3A = arith.constant 1.000000e+00 : f32
          %max3A_235 = vector.broadcast %max3A : f32 to vector<16xf32>
          %max3A_236 = arith.maximumf %gather3A, %max3A_235 : vector<16xf32>
          %div3A = arith.divf %broadcast_in_dim3A_20, %max3A_236 : vector<16xf32>
          %scan3A_237 = arith.constant 0 : i32
          %scan3A_238 = arith.constant 0 : i32
          %scan3A_239 = arith.constant 16 : i32
          %scan3A_240 = arith.addi %scan3A_238, %scan3A_239 : i32
          %scan3A_241 = arith.constant 1 : i32
          %scan3A_242 = scf.for %scan3A_245 = %scan3A_238 to %scan3A_240 step %scan3A_241 iter_args(%scan3A_246 = %scan3A_237) -> (i32)  : i32 {
            %mul3A_247 = arith.constant 16 : i32
            %mul3A_248 = arith.muli %scan3A_245, %mul3A_247 : i32
            %get3A_249 = arith.index_cast %scan3A_230 : i32 to index
            %get3A_250 = arith.index_cast %mul3A_248 : i32 to index
            %get3A_251 = tpu.vector_load %arg14[%get3A_249, %get3A_250] {strides = array<i32>} : memref<256x256xf32, #tpu.memory_space<vmem>>, vector<16xf32>,
            %mul3A_252 = arith.mulf %get3A_251, %div3A : vector<16xf32>
            %swap3A = arith.index_cast %scan3A_230 : i32 to index
            %swap3A_253 = arith.index_cast %mul3A_248 : i32 to index
            %swap3A_254 = tpu.vector_load %arg14[%swap3A, %swap3A_253] {strides = array<i32>} : memref<256x256xf32, #tpu.memory_space<vmem>>, vector<16xf32>,
            tpu.vector_store %arg14[%swap3A, %swap3A_253], %mul3A_252 {strides = array<i32>} : memref<256x256xf32, #tpu.memory_space<vmem>>, vector<16xf32>,
            %scan3A_255 = arith.constant 0 : i32
            scf.yield %scan3A_255 : i32
          }
          %scan3A_243 = arith.constant 16 : i32
          %scan3A_244 = arith.constant 0 : i32
          scf.yield %scan3A_244 : i32
        }
        %scan3A_201 = arith.constant 232 : i32
        %dma_start3A_202 = arith.constant 0 : i32
        %dma_start3A_203 = arith.constant 0 : i32
        %dma_start3A_204 = tpu.memref_slice %arg14[%dma_start3A_202, %dma_start3A_203] : memref<256x256xf32, #tpu.memory_space<vmem>> -> memref<232x256xf32, #tpu.memory_space<vmem>>
        %dma_start3A_205 = arith.constant 768 : i32
        %dma_start3A_206 = arith.constant 0 : i32
        %dma_start3A_207 = tpu.memref_slice %arg7[%add3A, %dma_start3A_205, %dma_start3A_206] : memref<4x1000x256xf32, #tpu.memory_space<hbm>> -> memref<1x232x256xf32, #tpu.memory_space<hbm>>
        %dma_start3A_208 = tpu.memref_squeeze %dma_start3A_207 : memref<1x232x256xf32, #tpu.memory_space<hbm>> -> memref<232x256xf32, #tpu.memory_space<hbm>>
        %dma_start3A_209 = arith.constant 768 : i32
        %dma_start3A_210 = arith.constant 0 : i32
        %dma_start3A_211 = tpu.memref_slice %arg7[%add3A, %dma_start3A_209, %dma_start3A_210] : memref<4x1000x256xf32, #tpu.memory_space<hbm>> -> memref<1x232x256xf32, #tpu.memory_space<hbm>>
        %dma_start3A_212 = tpu.memref_squeeze %dma_start3A_211 : memref<1x232x256xf32, #tpu.memory_space<hbm>> -> memref<232x256xf32, #tpu.memory_space<hbm>>
        %dma_start3A_213 = arith.constant 0 : i32
        %dma_start3A_214 = arith.constant 0 : i32
        %dma_start3A_215 = tpu.memref_slice %arg14[%dma_start3A_213, %dma_start3A_214] : memref<256x256xf32, #tpu.memory_space<vmem>> -> memref<232x256xf32, #tpu.memory_space<vmem>>
        tpu.enqueue_dma source(%dma_start3A_215 : memref<232x256xf32, #tpu.memory_space<vmem>>) target(%dma_start3A_212 : memref<232x256xf32, #tpu.memory_space<hbm>>) target_semaphore(%arg17 : memref<!tpu.dma_semaphore, #tpu.memory_space<semaphore_mem>>)
        %dma_wait3A_216 = arith.constant 0 : i32
        %dma_wait3A_217 = arith.constant 0 : i32
        %dma_wait3A_218 = tpu.memref_slice %arg14[%dma_wait3A_216, %dma_wait3A_217] : memref<256x256xf32, #tpu.memory_space<vmem>> -> memref<232x256xf32, #tpu.memory_space<vmem>>
        %dma_wait3A_219 = arith.constant 768 : i32
        %dma_wait3A_220 = arith.constant 0 : i32
        %dma_wait3A_221 = tpu.memref_slice %arg7[%add3A, %dma_wait3A_219, %dma_wait3A_220] : memref<4x1000x256xf32, #tpu.memory_space<hbm>> -> memref<1x232x256xf32, #tpu.memory_space<hbm>>
        %dma_wait3A_222 = tpu.memref_squeeze %dma_wait3A_221 : memref<1x232x256xf32, #tpu.memory_space<hbm>> -> memref<232x256xf32, #tpu.memory_space<hbm>>
        %dma_wait3A_223 = arith.constant 768 : i32
        %dma_wait3A_224 = arith.constant 0 : i32
        %dma_wait3A_225 = tpu.memref_slice %arg7[%add3A, %dma_wait3A_223, %dma_wait3A_224] : memref<4x1000x256xf32, #tpu.memory_space<hbm>> -> memref<1x232x256xf32, #tpu.memory_space<hbm>>
        %dma_wait3A_226 = tpu.memref_squeeze %dma_wait3A_225 : memref<1x232x256xf32, #tpu.memory_space<hbm>> -> memref<232x256xf32, #tpu.memory_space<hbm>>
        %dma_wait3A_227 = arith.constant 0 : i32
        %dma_wait3A_228 = arith.constant 0 : i32
        %dma_wait3A_229 = tpu.memref_slice %arg14[%dma_wait3A_227, %dma_wait3A_228] : memref<256x256xf32, #tpu.memory_space<vmem>> -> memref<232x256xf32, #tpu.memory_space<vmem>>
        tpu.wait_dma2 semaphore(%arg17 : memref<!tpu.dma_semaphore, #tpu.memory_space<semaphore_mem>>) src(%dma_wait3A_229 : memref<232x256xf32, #tpu.memory_space<vmem>>) dst(%dma_wait3A_226 : memref<232x256xf32, #tpu.memory_space<hbm>>)
      } else {
      }
    } else {
    }
    return
  }
}

module attributes {stable_mosaic.version = 14 : i64} {
  func.func @_sim_body(%arg0: i32, %arg1: memref<1x1000x256xf32, #tpu.memory_space<vmem>>, %arg2: memref<1x1000x1008xf32, #tpu.memory_space<vmem>>, %arg3: memref<1x1x1008xf32, #tpu.memory_space<vmem>>, %arg4: memref<1x1x1008xi32, #tpu.memory_space<vmem>>) attributes {dimension_semantics = [#tpu.dimension_semantics<arbitrary>], iteration_bounds = array<i64: 4>, scalar_prefetch = 0 : i64, scratch_operands = 0 : i64, tpu.core_type = #tpu.core_type<tc>, window_params = [{transform_indices = @transform_0, window_bounds = array<i64: 1, 1000, 256>}, {transform_indices = @transform_1, window_bounds = array<i64: 1, 1000, 1008>}, {transform_indices = @transform_2, window_bounds = array<i64: 1, 1, 1008>}, {transform_indices = @transform_3, window_bounds = array<i64: 1, 1, 1008>}]} {
    %get3A = arith.constant 0 : index
    %get3A_0 = arith.constant 0 : index
    %get3A_1 = arith.constant 0 : index
    %get3A_2 = vector.load %arg1[%get3A, %get3A_0, %get3A_1] : memref<1x1000x256xf32, #tpu.memory_space<vmem>>, vector<1x1000x256xf32>
    %get3A_3 = vector.shape_cast %get3A_2 : vector<1x1000x256xf32> to vector<1000x256xf32>
    %mul3A = arith.mulf %get3A_3, %get3A_3 : vector<1000x256xf32>
    %reduce_sum3A = arith.constant dense<0.000000e+00> : vector<1000xf32>
    %reduce_sum3A_4 = vector.multi_reduction <add>, %mul3A, %reduce_sum3A [1] : vector<1000x256xf32> to vector<1000xf32>
    %broadcast_in_dim3A = vector.shape_cast %reduce_sum3A_4 : vector<1000xf32> to vector<1000x1xf32>
    %sqrt3A = math.sqrt %broadcast_in_dim3A : vector<1000x1xf32>
    %max3A = arith.constant 9.99999996E-13 : f32
    %max3A_5 = vector.broadcast %max3A : f32 to vector<1000x1xf32>
    %max3A_6 = arith.maximumf %sqrt3A, %max3A_5 : vector<1000x1xf32>
    %div3A = vector.broadcast %max3A_6 : vector<1000x1xf32> to vector<1000x256xf32>
    %div3A_7 = arith.divf %get3A_3, %div3A : vector<1000x256xf32>
    %convert_element_type3A = arith.truncf %div3A_7 : vector<1000x256xf32> to vector<1000x256xbf16>
    %dot_general3A = arith.constant dense<0.000000e+00> : vector<1000x1000xf32>
    %dot_general3A_8 = tpu.matmul %convert_element_type3A, %convert_element_type3A, %dot_general3A {dimension_numbers = #tpu.dot_dimension_numbers<[1], [1], [0], [0], [0, 0, 1, 0], [], []>, transpose_lhs_hint = false} : vector<1000x256xbf16>, vector<1000x256xbf16>, vector<1000x1000xf32> -> vector<1000x1000xf32>
    %iota3A = tpu.iota {dimensions = array<i32: 0>} : vector<1000x1000xi32>
    %iota3A_9 = tpu.iota {dimensions = array<i32: 1>} : vector<1000x1000xi32>
    %eq3A = arith.cmpi eq, %iota3A, %iota3A_9 : vector<1000x1000xi32>
    %sub3A = arith.constant 2.000000e+00 : f32
    %sub3A_10 = vector.broadcast %sub3A : f32 to vector<1000x1000xf32>
    %sub3A_11 = arith.subf %dot_general3A_8, %sub3A_10 : vector<1000x1000xf32>
    %select_n3A = arith.select %eq3A, %sub3A_11, %dot_general3A_8 : vector<1000x1000xi1>, vector<1000x1000xf32>
    %reduce_max3A = arith.constant dense<0xFF800000> : vector<1000xf32>
    %reduce_max3A_12 = vector.multi_reduction <maximumf>, %select_n3A, %reduce_max3A [0] : vector<1000x1000xf32> to vector<1000xf32>
    %broadcast_in_dim3A_13 = vector.shape_cast %reduce_max3A_12 : vector<1000xf32> to vector<1x1000xf32>
    %broadcast_in_dim3A_14 = arith.constant -2.000000e+00 : f32
    %broadcast_in_dim3A_15 = vector.broadcast %broadcast_in_dim3A_14 : f32 to vector<1x8xf32>
    %concatenate3A = tpu.concatenate %broadcast_in_dim3A_13, %broadcast_in_dim3A_15 in 1 : vector<1x1000xf32>, vector<1x8xf32> -> vector<1x1008xf32>
    %swap3A = arith.constant 0 : index
    %swap3A_16 = arith.constant 0 : index
    %swap3A_17 = arith.constant 0 : index
    %swap3A_18 = vector.load %arg3[%swap3A, %swap3A_16, %swap3A_17] : memref<1x1x1008xf32, #tpu.memory_space<vmem>>, vector<1x1x1008xf32>
    %swap3A_19 = vector.shape_cast %swap3A_18 : vector<1x1x1008xf32> to vector<1x1008xf32>
    %swap3A_20 = vector.shape_cast %concatenate3A : vector<1x1008xf32> to vector<1x1x1008xf32>
    tpu.vector_store %arg3[%swap3A, %swap3A_16, %swap3A_17], %swap3A_20 {strides = array<i32>} : memref<1x1x1008xf32, #tpu.memory_space<vmem>>, vector<1x1x1008xf32>,
    %reduce_max3A_21 = vector.shape_cast %broadcast_in_dim3A_13 : vector<1x1000xf32> to vector<1x1x1000xf32>
    %reduce_max3A_22 = arith.constant dense<0xFF800000> : vector<1xf32>
    %reduce_max3A_23 = vector.multi_reduction <maximumf>, %reduce_max3A_21, %reduce_max3A_22 [1, 2] : vector<1x1x1000xf32> to vector<1xf32>
    %reduce_max3A_24 = vector.shape_cast %reduce_max3A_23 : vector<1xf32> to vector<1x1x1xf32>
    %reduce_max3A_25 = vector.extract %reduce_max3A_24[0, 0, 0] : f32 from vector<1x1x1xf32>
    %gt3A = arith.constant 0.899999976 : f32
    %gt3A_26 = arith.cmpf ogt, %reduce_max3A_25, %gt3A : f32
    %convert_element_type3A_27 = arith.extui %gt3A_26 : i1 to i32
    %cond3A = arith.constant 0 : i32
    %cond3A_28 = arith.cmpi ne, %convert_element_type3A_27, %cond3A : i32
    scf.if %cond3A_28 {
      %eq3A_29 = vector.broadcast %broadcast_in_dim3A_13 : vector<1x1000xf32> to vector<1000x1000xf32>
      %eq3A_30 = arith.cmpf oeq, %select_n3A, %eq3A_29 : vector<1000x1000xf32>
      %jit3A = arith.constant 2147483647 : i32
      %broadcast_in_dim3A_31 = vector.broadcast %jit3A : i32 to vector<1000x1000xi32>
      %select_n3A_32 = arith.select %eq3A_30, %iota3A, %broadcast_in_dim3A_31 : vector<1000x1000xi1>, vector<1000x1000xi32>
      %reduce_min3A = arith.constant dense<2147483647> : vector<1000xi32>
      %reduce_min3A_33 = vector.multi_reduction <minsi>, %select_n3A_32, %reduce_min3A [0] : vector<1000x1000xi32> to vector<1000xi32>
      %broadcast_in_dim3A_34 = vector.shape_cast %reduce_min3A_33 : vector<1000xi32> to vector<1x1000xi32>
      %broadcast_in_dim3A_35 = arith.constant -2.000000e+00 : f32
      %broadcast_in_dim3A_36 = vector.broadcast %broadcast_in_dim3A_35 : f32 to vector<1000x8xf32>
      %concatenate3A_37 = tpu.concatenate %select_n3A, %broadcast_in_dim3A_36 in 1 : vector<1000x1000xf32>, vector<1000x8xf32> -> vector<1000x1008xf32>
      %swap3A_38 = arith.constant 0 : index
      %swap3A_39 = arith.constant 0 : index
      %swap3A_40 = arith.constant 0 : index
      %swap3A_41 = vector.load %arg2[%swap3A_38, %swap3A_39, %swap3A_40] : memref<1x1000x1008xf32, #tpu.memory_space<vmem>>, vector<1x1000x1008xf32>
      %swap3A_42 = vector.shape_cast %swap3A_41 : vector<1x1000x1008xf32> to vector<1000x1008xf32>
      %swap3A_43 = vector.shape_cast %concatenate3A_37 : vector<1000x1008xf32> to vector<1x1000x1008xf32>
      tpu.vector_store %arg2[%swap3A_38, %swap3A_39, %swap3A_40], %swap3A_43 {strides = array<i32>} : memref<1x1000x1008xf32, #tpu.memory_space<vmem>>, vector<1x1000x1008xf32>,
      %broadcast_in_dim3A_44 = arith.constant 0 : i32
      %broadcast_in_dim3A_45 = vector.broadcast %broadcast_in_dim3A_44 : i32 to vector<1x8xi32>
      %concatenate3A_46 = tpu.concatenate %broadcast_in_dim3A_34, %broadcast_in_dim3A_45 in 1 : vector<1x1000xi32>, vector<1x8xi32> -> vector<1x1008xi32>
      %swap3A_47 = arith.constant 0 : index
      %swap3A_48 = arith.constant 0 : index
      %swap3A_49 = arith.constant 0 : index
      %swap3A_50 = vector.load %arg4[%swap3A_47, %swap3A_48, %swap3A_49] : memref<1x1x1008xi32, #tpu.memory_space<vmem>>, vector<1x1x1008xi32>
      %swap3A_51 = vector.shape_cast %swap3A_50 : vector<1x1x1008xi32> to vector<1x1008xi32>
      %swap3A_52 = vector.shape_cast %concatenate3A_46 : vector<1x1008xi32> to vector<1x1x1008xi32>
      tpu.vector_store %arg4[%swap3A_47, %swap3A_48, %swap3A_49], %swap3A_52 {strides = array<i32>} : memref<1x1x1008xi32, #tpu.memory_space<vmem>>, vector<1x1x1008xi32>,
    } else {
    }
    return
  }
  func.func @transform_0(%arg0: i32) -> (i32, i32, i32) {
    %c0_i32 = arith.constant 0 : i32
    %c0_i32_0 = arith.constant 0 : i32
    %c0_i32_1 = arith.constant 0 : i32
    return %arg0, %c0_i32, %c0_i32_0 : i32, i32, i32
  }
  func.func @transform_1(%arg0: i32) -> (i32, i32, i32) {
    %c0_i32 = arith.constant 0 : i32
    %c0_i32_0 = arith.constant 0 : i32
    %c0_i32_1 = arith.constant 0 : i32
    return %arg0, %c0_i32, %c0_i32_0 : i32, i32, i32
  }
  func.func @transform_2(%arg0: i32) -> (i32, i32, i32) {
    %c0_i32 = arith.constant 0 : i32
    %c0_i32_0 = arith.constant 0 : i32
    %c0_i32_1 = arith.constant 0 : i32
    return %arg0, %c0_i32, %c0_i32_0 : i32, i32, i32
  }
  func.func @transform_3(%arg0: i32) -> (i32, i32, i32) {
    %c0_i32 = arith.constant 0 : i32
    %c0_i32_0 = arith.constant 0 : i32
    %c0_i32_1 = arith.constant 0 : i32
    return %arg0, %c0_i32, %c0_i32_0 : i32, i32, i32
  }
}

</mosaic_0001>

<sc_bundles>
// kernel: kernel.4.cloned.1.call-start
scs
__scs_entry_jumppad:
0x0: {  	(pc) =	sbr.rel $0x88, $3  }
0x1: {  	(tag) =	ssettag $0x0;
	lr =	simm.s32 $0x1  }
0x2: {  	[smem:$0x3FA0] =	sst lr;
	_ =	strace $0xD0000000  }
0x3: {  	_ = 	snop  }
0x4: {  	_ = 	snop  }
0x5: {  	_ = 	snop  }
0x6: {  	_ = 	snop  }
0x7: {  	_ = 	snop  }
__scs_overlays_trampoline_lowered:
0x8: {  	[smem:$0x3FAF] =	sst s0  }
0x9: {  	[smem:$0x3FB0] =	sst s1  }
0xa: {  	[smem:$0x3FB1] =	sst s2  }
0xb: {  	[smem:$0x3FB2] =	sst s3  }
0xc: {  	[smem:$0x3FB3] =	sst s4  }
0xd: {  	[smem:$0x3FB4] =	sst s5  }
0xe: {  	[smem:$0x3FB5] =	sst s6  }
0xf: {  	[smem:$0x3FB6] =	sst s7  }
0x10: {  	[smem:$0x3FB7] =	sst s8  }
0x11: {  	[smem:$0x3FB8] =	sst s9;
	s0 =	simm.s32 @!p0 $0x0  }
0x12: {  	s1 =	sld [smem:$0x3F9E];
	s0 =	simm.s32 @p0 $0x1  }
0x13: {  	[smem:$0x3FB9] =	sst s0;
	s0 =	simm.s32 @!p1 $0x0  }
0x14: {  	s2 =	sld [smem:$0x3F9D];
	s0 =	simm.s32 @p1 $0x1  }
0x15: {  	[smem:$0x3FBA] =	sst s0;
	s0 =	simm.s32 @!p2 $0x0  }
0x16: {  	s3 =	sld [smem:$0x3FDB];
	s0 =	simm.s32 @p2 $0x1  }
0x17: {  	s4 =	simm.s32 $0x1BF5;
	[smem:$0x3FBC] =	sst s0  }
0x18: {  	s0 =	sld [smem:$0x3F9F];
	_ =	swait.ge [sflag:s4], $0x0  }
0x19: {  	s7 =	sld [smem:$0x3FA0]  }
0x1a: {  	s8 =	sadd.s32 $0xFFFFE003, lr  }
0x1b: {  	s9 =	sadd.s32 $0xFFFFFEF7, lr;
	s5 =	simm.s32 $0xFFFFFFFF;
	p2 =	slt.u32 s8, $0xFFFFF086  }
0x1c: {  	p1 =	slt.u32 s9, $0xF7A;
	s5 =	simm.s32 @!p2 $0x0  }
0x1d: {  	s5 =	simm.s32 @p1 $0x1;
	p0 =	seq.s32 s7, s2  }
0x1e: {  	s7 =	smul.u32 @!p0 $0xF7A, s2;
	p2 =	seq.s32 @!p0 s5, $0x0  }
0x1f: {  	s9 =	smul.u32 $0xF7A, s1;
	s8 =	simm.s32 @!p0 $0x1BF5;
	p2 =	por !p2, p0  }
0x20: {  	[sflag:s8] =	ssyncset.s32 @!p0 $0xFFFFF086;
	s6 =	sadd.s32 @!p0 s3, s7;
	s7 =	simm.s32 @!p0 $0x108  }
0x21: {  	s3 =	sadd.s32 s3, s9;
	s6 =	sadd.s32 @!p0 $0x88, s6;
	s7 =	simm.s32 @p2 $0x1082  }
0x22: {  	[simem:s7], [sflag:s8] =	dma.local @!p0 [hbm:s6], $0xF7A  }
0x23: {  	s9 =	sor.u32 $0xD0000000, s2;
	s6 =	simm.s32 $0x108;
	_ =	swait.ge @!p0 [sflag:s8], $0x0  }
0x24: {  	s3 =	sadd.s32 $0x88, s3;
	s6 =	simm.s32 @!p1 $0x1082;
	[sflag:s4] =	ssyncset.s32 $0xFFFFF086  }
0x25: {  	[simem:s6], [sflag:s4] =	dma.local [hbm:s3], $0xF7A  }
0x26: {  	[smem:$0x3FA0] =	sst s1;
	(tag) =	ssettag s2;
	_ =	strace s9  }
0x27: {  	s1 =	sld [smem:$0x3FB0]  }
0x28: {  	s2 =	sld [smem:$0x3FB1]  }
0x29: {  	s4 =	sld [smem:$0x3FB3]  }
0x2a: {  	p0 =	seq.s32 s5, $0x0;
	s5 =	sld [smem:$0x3FB4]  }
0x2b: {  	s6 =	sld [smem:$0x3FB5]  }
0x2c: {  	s7 =	sld [smem:$0x3FB6]  }
0x2d: {  	s3 =	simm.s32 $0x108;
	s8 =	sld [smem:$0x3FB7]  }
0x2e: {  	s3 =	simm.s32 @!p0 $0x1082;
	s9 =	sld [smem:$0x3FB8]  }
0x2f: {  	lr =	sadd.s32 s0, s3;
	s0 =	sld [smem:$0x3FAF]  }
0x30: {  	s3 =	sld [smem:$0x3FB2]  }
0x31: {  	[smem:$0x3FBB] =	sst s10  }
0x32: {  	s10 =	sld [smem:$0x3FB9];
	_ =	sdelay $0x3  }
0x33: {  	p0 =	seq.s32 s10, $0x1;
	s10 =	sld [smem:$0x3FBB];
	_ =	sdelay $0x3  }
0x34: {  	[smem:$0x3FBB] =	sst s10  }
0x35: {  	s10 =	sld [smem:$0x3FBA];
	_ =	sdelay $0x3  }
0x36: {  	p1 =	seq.s32 s10, $0x1;
	s10 =	sld [smem:$0x3FBB];
	_ =	sdelay $0x3  }
0x37: {  	[smem:$0x3FBB] =	sst s10  }
0x38: {  	s10 =	sld [smem:$0x3FBC]  }
0x39: {  	_ = 	snop;
	(pc) =	sbr.ind lr, $3  }
0x3a: {  	_ = 	snop  }
0x3b: {  	_ = 	snop  }
0x3c: {  	p2 =	seq.s32 s10, $0x1;
	s10 =	sld [smem:$0x3FBB]  }
0x3d: {  	_ =	shalt  }
0x3e: {  	_ =	shalt  }
0x3f: {  	_ =	shalt  }
0x40: {  	_ =	shalt  }
0x41: {  	_ =	shalt  }
0x42: {  	_ =	shalt  }
0x43: {  	_ =	shalt  }
0x44: {  	_ =	shalt  }
0x45: {  	_ =	shalt  }
0x46: {  	_ =	shalt  }
0x47: {  	_ =	shalt  }
0x48: {  	_ =	shalt  }
0x49: {  	_ =	shalt  }
0x4a: {  	_ =	shalt  }
0x4b: {  	_ =	shalt  }
0x4c: {  	_ =	shalt  }
0x4d: {  	_ =	shalt  }
0x4e: {  	_ =	shalt  }
0x4f: {  	_ =	shalt  }
0x50: {  	_ =	shalt  }
0x51: {  	_ =	shalt  }
0x52: {  	_ =	shalt  }
0x53: {  	_ =	shalt  }
0x54: {  	_ =	shalt  }
0x55: {  	_ =	shalt  }
0x56: {  	_ =	shalt  }
0x57: {  	_ =	shalt  }
0x58: {  	_ =	shalt  }
0x59: {  	_ =	shalt  }
0x5a: {  	_ =	shalt  }
0x5b: {  	_ =	shalt  }
0x5c: {  	_ =	shalt  }
0x5d: {  	_ =	shalt  }
0x5e: {  	_ =	shalt  }
0x5f: {  	_ =	shalt  }
0x60: {  	_ =	shalt  }
0x61: {  	_ =	shalt  }
0x62: {  	_ =	shalt  }
0x63: {  	_ =	shalt  }
0x64: {  	_ =	shalt  }
0x65: {  	_ =	shalt  }
0x66: {  	_ =	shalt  }
0x67: {  	_ =	shalt  }
0x68: {  	_ =	shalt  }
0x69: {  	_ =	shalt  }
0x6a: {  	_ =	shalt  }
0x6b: {  	_ =	shalt  }
0x6c: {  	_ =	shalt  }
0x6d: {  	_ =	shalt  }
0x6e: {  	_ =	shalt  }
0x6f: {  	_ =	shalt  }
0x70: {  	_ =	shalt  }
0x71: {  	_ =	shalt  }
0x72: {  	_ =	shalt  }
0x73: {  	_ =	shalt  }
0x74: {  	_ =	shalt  }
0x75: {  	_ =	shalt  }
0x76: {  	_ =	shalt  }
0x77: {  	_ =	shalt  }
0x78: {  	_ =	shalt  }
0x79: {  	_ =	shalt  }
0x7a: {  	_ =	shalt  }
0x7b: {  	_ =	shalt  }
0x7c: {  	_ =	shalt  }
0x7d: {  	_ =	shalt  }
0x7e: {  	_ =	shalt  }
0x7f: {  	_ =	shalt  }
0x80: {  	_ =	shalt  }
0x81: {  	_ =	shalt  }
0x82: {  	_ =	shalt  }
0x83: {  	_ =	shalt  }
0x84: {  	_ =	shalt  }
0x85: {  	_ =	shalt  }
0x86: {  	_ =	shalt  }
0x87: {  	_ =	shalt  }
.Lfunc_end0:
.L_simem_size_0:
called_computation_lowered:
.L_overlay_start_0:
0x88: {  	s2 =	sld [smem:$0x3FD9]  }
0x89: {  	s3 =	sld [smem:$0x3FFE];
	_ =	sdelay $0x1  }
0x8a: {  	s1 =	srdreg.scid  }
0x8b: {  	s0 =	sand.u32 $0x1, s1  }
0x8c: {  	s14 =	sshll.u32 s0, $0xA;
	s2 =	sadd.s32 s3, s2  }
0x8d: {  	s2 =	sadd.s32 s2, s14  }
0x8e: {  	[smem:$0x3FC7] =	sst s2  }
0x8f: {  	_ = 	snop  }
0x90: {  	s2 =	sld [smem:$0x3FD0];
	_ =	sdelay $0x2  }
0x91: {  	s4 =	simm.s32 $0xA;
	s5 =	simm.s32 $0x10;
	s15 =	sld [smem:$0x3FC9]  }
0x92: {  	[smem:s5], [sflag:s4] =	dma.local [hbm:s2], $0x1  }
0x93: {  	_ =	swait.eq [sflag:s4], $0x1  }
0x94: {  	[sflag:s4] =	ssyncset.done $0x0  }
0x95: {  	s16 =	sld [smem:$0x10];
	[sflag:s4] =	ssyncadd.s32 $0xFFFFFFFF  }
0x96: {  	s17 =	sld [smem:$0x11];
	(tm) =	ssettm $0x1  }
0x97: {  	s18 =	sld [smem:$0x3FFB];
	_ =	sdelay $0x3  }
0x98: {  	_ =	strace s18  }
0x99: {  	s5 =	sld [smem:$0x3FFC];
	_ =	sdelay $0x3  }
0x9a: {  	_ =	strace s5  }
0x9b: {  	s5 =	sld [smem:$0x3FFD];
	_ =	sdelay $0x3  }
0x9c: {  	_ =	strace s5  }
0x9d: {  	_ =	strace $0x8FFFFFFF  }
0x9e: {  	s19 =	sld [smem:$0x3FDB];
	_ =	sdelay $0x1  }
0x9f: {  	s6 =	simm.s32 $_scs_section_size  }
0xa0: {  	s7 =	simm.s32 $_size__tile_overlayer_lowered;
	s8 =	simm.s32 $_tile_overlayer_lowered  }
0xa1: {  	s22 =	simm.s32 $0x1BFF;
	s21 =	sshll.u32 s8, $0x1;
	s5 =	sadd.s32 s6, s19  }
0xa2: {  	s9 =	simm.s32 $0x0;
	s20 =	sshll.u32 s7, $0x1;
	s7 =	sadd.s32 s21, s5  }
0xa3: {  	[timem:s9], [sflag:s22] =	dma.local [hbm:s7], s20  }
0xa4: {  	_ =	swait.ge [sflag:s22], s20  }
0xa5: {  	s6 =	ssub.s32 $0x0, s20;
	[sflag:s22] =	ssyncset.done $0x0  }
0xa6: {  	[sflag:s22] =	ssyncadd.s32 s6;
	_ =	sdelay $0x1  }
0xa7: {  	s23 =	simm.s32 $0x1B8B  }
0xa8: {  	_ =	swait.ge [sflag:s23], $0x1  }
0xa9: {  	[sflag:s23] =	ssyncset.done $0x0  }
0xaa: {  	s25 =	simm.s32 $0x1B8E;
	s24 =	sld [smem:$0x3FFE];
	[sflag:s23] =	ssyncadd.s32 $0xFFFFFFFF  }
0xab: {  	s26 =	simm.s32 $execute0_lowered;
	[smem:$0x3FD2] =	sst s25  }
0xac: {  	s7 =	sshll.u32 s26, $0x1;
	_ =	strace $0x80000046;
	[dreg:$0x1] =	wrdreg $0xFFFFFFFF  }
0xad: {  	s28 =	simm.s32 $_size_execute0_lowered;
	s5 =	sadd.s32 s5, s7;
	[dreg:$0x0] =	wrdreg $0x0  }
0xae: {  	s7 =	sshll.u32 s28, $0x1;
	[dreg:$0x2] =	wrdreg s5  }
0xaf: {  	[dreg:$0x3] =	wrdreg s7  }
0xb0: {  	[dreg:$0x4] =	wrdreg $0xC0  }
0xb1: {  	_ =	task [dreg:s9], $0x5FFFF  }
0xb2: {  	[dreg:$0x1] =	wrdreg $0xFFFFFFFF  }
0xb3: {  	[dreg:$0x0] =	wrdreg $0x60  }
0xb4: {  	[dreg:$0x2] =	wrdreg s24  }
0xb5: {  	[dreg:$0x3] =	wrdreg s15  }
0xb6: {  	[dreg:$0x4] =	wrdreg s17  }
0xb7: {  	[dreg:$0x5] =	wrdreg s16  }
0xb8: {  	[dreg:$0x6] =	wrdreg $0x9  }
0xb9: {  	_ =	task.clear_ibuf [dreg:s9], $0x7FFFF;
	_ =	strace $0x90000046  }
0xba: {  	s29 =	simm.s32 $0x9;
	_ =	strace $0x80000048  }
0xbb: {  	_ =	swait.ge [sflag:s29], $0x1  }
0xbc: {  	[sflag:s29] =	ssyncadd.s32 $0xFFFFFFFF  }
0xbd: {  	_ =	strace $0x90000048  }
0xbe: {  	_ =	sfence  }
0xbf: {  	s30 =	sld [smem:$0x0];
	_ =	sdelay $0x2  }
0xc0: {  	s31 =	sshll.u32 s1, $0xD;
	s1 =	sshrl.u32 s1, $0x2  }
0xc1: {  	s3 =	sand.u32 $0x4000, s31;
	s1 =	sadd.s32 s1, s30  }
0xc2: {  	s0 =	sor.u32 s3, s0;
	s1 =	sshll.u32 s1, $0x11  }
0xc3: {  	s0 =	sor.u32 s1, s0  }
0xc4: {  	s0 =	sadd.s32 $0x8F2B, s0  }
0xc5: {  	[sflag:s0] =	ssyncadd.remote.s32 $0x1  }
0xc6: {  	_ =	sfence.sel $0xFFFF  }
0xc7: {  	[dreg:$0x0] =	wrdreg $0xFFFFFFFF;
	(pc) =	sbr.abs _section_cstart, $3  }
0xc8: {  	[dreg:$0x1] =	wrdreg $0xFFFFFFFF  }
0xc9: {  	_ =	task.clear_ibuf [dreg:s9], $0x2FFFF;
	_ =	strace $0x9FFFFFFF  }
0xca: {  	(tm) =	ssettm $0x7FFFFFFF  }
0xcb: {  	_ =	shalt  }
tec
execute0_lowered:
.L_overlay_start_1:
0x0: {  	(tag) =	ssettag $0x1  }
0x1: {  	s0 =	rddreg [dreg:$0x0]  }
0x2: {  	s17 =	stileid.u32;
	s2 =	rddreg [dreg:$0x1]  }
0x3: {  	s13 =	rddreg [dreg:$0x2];
	s1 =	sadd.s32 $0xFFFFFFFE, s17  }
0x4: {  	s14 =	rddreg [dreg:$0x3];
	s3 =	simm.s32 $0x0;
	s4 =	smulhi.u32 $0x24924925, s1  }
0x5: {  	s22 =	srdreg.scid;
	s19 =	simm.s32 $0x80;
	s20 =	simm.s32 $0x200  }
0x6: {  	s21 =	simm.s32 $0x1;
	s28 =	simm.s32 $0x0;
	s5 =	ssub.s32 s1, s4  }
0x7: {  	[smem:$0x7FF] =	sst s3;
	s8 =	sshll.u32 s17, $0x1;
	s5 =	sshrl.u32 s5, $0x1  }
0x8: {  	p0 =	sgt.u32 s17, $0x1;
	_ =	strace $0x80000047;
	s4 =	sadd.s32 s4, s5  }
0x9: {  	s5 =	sand.u32 $0x1, s22;
	s22 =	simm.s32 $0x400;
	s4 =	sshrl.u32 s4, $0x2  }
0xa: {  	s12 =	sor.u32 s5, s8;
	s6 =	smul.u32 $0x7, s4;
	s7 =	sshll.u32 s4, $0x1  }
0xb: {  	s4 =	sadd.s32 $0xE00, s0;
	s15 =	sshll.u32 s12, $0x4;
	s7 =	sor.u32 s5, s7  }
0xc: {  	s5 =	ssub.s32 $0x2, s5;
	s1 =	ssub.s32 s1, s6;
	s23 =	smul.u32 $0x3E800, s7  }
0xd: {  	s0 =	sadd.s32 s15, s0;
	s13 =	sadd.s32 s13, s15;
	s24 =	smul.u32 $0x9000, s1  }
0xe: {  	s25 =	sshrl.u32 s5, $0x1;
	s10 =	sadd.s32 $0x7DE00, s0;
	s11 =	sadd.s32 $0x7E000, s0  }
0xf: {  	s16 =	ssub.s32 s5, s25;
	p1 =	sgt.u32 s1, $0x5;
	s6 =	sadd.s32 s24, s23  }
0x10: {  	s9 =	sshrl.u32 s23, $0x3;
	s29 =	sshrl.u32 s6, $0x3;
	s6 =	smul.u32 $0x3E800, s12  }
0x11: {  	s25 =	simm.s32 $0x1800;
	s18 =	smax.u32 s16, $0x1;
	s26 =	sadd.s32 $0x6C00, s9  }
0x12: {  	s23 =	simm.s32 $0xC00;
	s24 =	simm.s32 $0x1400;
	s30 =	sshrl.u32 s6, $0x3  }
.Ltmp0:
0x13: {  	s7 =	sadd.s32 s14, s26;
	s0 =	sadd.s32 s14, s30;
	(pc) =	sbr.rel .LBB2_1-.Ltmp0, $4  }
0x14: {  	v0 =	vlaneseq.u32;
	s9 =	sadd.s32 s14, s29;
	s14 =	sadd.s32 $0x2000, s0;
	[dreg:$0x5] =	wrdreg s0  }
0x15: {  	v2 =	vmul.u32 $0xFFFFFFFF, v0;
	s5 =	sadd.s32 s2, s26;
	s31 =	sadd.s32 $0x4000, s0;
	[dreg:$0x6] =	wrdreg s14  }
0x16: {  	v1 =	vimm.f32 $0.0e+00;
	s12 =	smul.u32 $0xFA000, s12;
	s0 =	sadd.s32 $0x6000, s0;
	[dreg:$0x7] =	wrdreg s31  }
0x17: {  	v3 =	vimm.f32 $1.000000000e+00;
	v4 =	vimm.f32 $-2.000000000e+00;
	v2 =	vadd.s32 $0x3E8, v2;
	s26 =	simm.s32 $0x800;
	s8 =	sadd.s32 s2, s29;
	[dreg:$0x8] =	wrdreg s0  }
.LBB2_16:
0x18: {  	s0 =	simm.s32 @p1 $0x0;
	s1 =	simm.s32 @p1 $0x1800;
	s14 =	simm.s32 @p1 $0x1  }
0x19: {  	[tilespmem:s1], [sflag:$0x1] =	stream.linear.gather @p1 [hbm4b:s5+s0], $0x8800, $0x38;
	[tilespmem:$0x11900] =	vst v63  }
0x1a: {  	_ =	swait.ge @p1 [sflag:s14], $0x8800  }
0x1b: {  	[sflag:s14] =	ssyncset.done @p1 $0x0  }
0x1c: {  	[sflag:s14] =	ssyncadd.s32 @p1 $0xFFFF7800  }
0x1d: {  	[hbm4b:s7+s0] =	stream.linear.scatter @p1 [tilespmem:s1], [sflag:$0x1], $0x8800, $0x38;
	[tilespmem:$0x11900] =	vst v63  }
0x1e: {  	_ =	swait.ge @p1 [sflag:s14], $0x8800  }
0x1f: {  	[sflag:s14] =	ssyncset.done @p1 $0x0  }
0x20: {  	s0 =	simm.s32 @!p1 $0x0;
	[sflag:s14] =	ssyncadd.s32 @p1 $0xFFFF7800  }
0x21: {  	s1 =	simm.s32 @!p1 $0x1800;
	s14 =	simm.s32 @!p1 $0x1;
	[bflag:$0x0] =	sbarrier.arrive @p1 $0xFFFF  }
0x22: {  	[tilespmem:s1], [sflag:$0x1] =	stream.linear.gather @!p1 [hbm4b:s8+s0], $0x9000, $0x38;
	[tilespmem:$0x11900] =	vst v63  }
0x23: {  	_ =	swait.ge @!p1 [sflag:s14], $0x9000  }
0x24: {  	[sflag:s14] =	ssyncset.done @!p1 $0x0  }
0x25: {  	[sflag:s14] =	ssyncadd.s32 @!p1 $0xFFFF7000  }
0x26: {  	[hbm4b:s9+s0] =	stream.linear.scatter @!p1 [tilespmem:s1], [sflag:$0x1], $0x9000, $0x38;
	[tilespmem:$0x11900] =	vst v63  }
0x27: {  	_ =	swait.ge @!p1 [sflag:s14], $0x9000  }
0x28: {  	[sflag:s14] =	ssyncset.done @!p1 $0x0  }
0x29: {  	[sflag:s14] =	ssyncadd.s32 @!p1 $0xFFFF7000  }
0x2a: {  	[bflag:$0x0] =	sbarrier.arrive @!p1 $0xFFFF  }
.LBB2_70:
0x2b: {  	s28 =	sadd.s32 $0x1, s28  }
0x2c: {  	p2 =	sne.s32 s28, s18  }
.Ltmp1:
0x2d: {  	_ = 	snop;
	(pc) =	sbr.rel @!p2 .LBB2_71-.Ltmp1, $1  }
0x2e: {  	_ =	sdelay $0x3  }
.LBB2_1:
.Ltmp2:
0x2f: {  	(pc) =	sbr.rel @p0 .LBB2_16-.Ltmp2, $1  }
0x30: {  	_ =	sdelay $0x3  }
0x31: {  	s0 =	simm.s32 $0x0  }
0x32: {  	[tilespmem:s0], [sflag:$0x1] =	stream.strided.gather [hbm4b:s10+s19], $0x400, s20, s19, $0x38;
	[tilespmem:$0x11900] =	vst v63  }
0x33: {  	_ =	swait.ge [sflag:s21], $0x400  }
0x34: {  	[sflag:s21] =	ssyncset.done $0x0  }
0x35: {  	[sflag:s21] =	ssyncadd.s32 $0xFFFFFC00  }
0x36: {  	[tilespmem:s22], [sflag:$0x1] =	stream.strided.gather [hbm4b:s11+s19], $0x400, s20, s19, $0x38;
	[tilespmem:$0x11900] =	vst v63  }
0x37: {  	v5 =	vor.u32 s0, v0;
	_ =	swait.ge [sflag:s21], $0x400  }
0x38: {  	vm0 =	vlt.u32 v5, $0x3E8;
	[sflag:s21] =	ssyncset.done $0x0  }
0x39: {  	s0 =	simm.s32 $0x800;
	v6 =	vsel vm0, $0x3F800000, v1;
	[sflag:s21] =	ssyncadd.s32 $0xFFFFFC00  }
0x3a: {  	s1 =	simm.s32 $0xC00;
	[tilespmem:s0+$0x0] =	vst v6  }
0x3b: {  	s15 =	simm.s32 $0x10;
	[tilespmem:s1+$0x0] =	vst v5  }
.LBB2_3:
0x3c: {  	p2 =	sne.s32 s15, $0x3E0  }
.Ltmp3:
0x3d: {  	v5 =	vor.u32 s15, v0;
	(pc) =	sbr.rel @p2 .LBB2_3-.Ltmp3, $4  }
0x3e: {  	s15 =	sadd.s32 $0x10, s15;
	vm0 =	vlt.u32 v5, $0x3E8  }
0x3f: {  	s0 =	sadd.s32 $0x10, s0;
	v6 =	vsel vm0, $0x3F800000, v1  }
0x40: {  	s1 =	sadd.s32 $0x10, s1;
	[tilespmem:s0+$0x0] =	vst v6  }
0x41: {  	[tilespmem:s1+$0x0] =	vst v5  }
.Ltmp4:
0x42: {  	(pc) =	sbr.rel .LBB2_5-.Ltmp4, $3  }
0x43: {  	_ =	sdelay $0x1  }
0x44: {  	s0 =	simm.s32 $0x0  }
0x45: {  	v6 =	vimm.f32 $-3.000000000e+00;
	v5 =	vimm.s32 $0x0;
	[smem:$0x0] =	sst s0  }
.LBB2_15:
0x46: {  	s0 =	simm.s32 $0x0;
	v5 =	vimm.s32 $0x0;
	v6 =	vimm.f32 $-3.000000000e+00  }
.LBB2_5:
0x47: {  	s1 =	sshll.u32 s0, $0x4  }
0x48: {  	s0 =	sadd.s32 $0x1, s0;
	v7 =	vld [tilespmem:s1+$0x0]  }
0x49: {  	p2 =	sne.s32 s0, $0x3F  }
.Ltmp5:
0x4a: {  	_ = 	snop;
	(pc) =	sbr.rel @p2 .LBB2_5-.Ltmp5, $3  }
0x4b: {  	_ =	sdelay $0x1  }
0x4c: {  	v8 =	vor.u32 s1, v0;
	vm0 =	vgt.f32 v7, v6  }
0x4d: {  	v6 =	vsel vm0, v7, v6;
	v5 =	vsel vm0, v8, v5  }
0x4e: {  	(xrf0) =	vmax.scan.msk.f32 $0xffff, v6;
	_ =	sdelay $0x5  }
0x4f: {  	v7, _, _ =	vpop (xrf0)  }
0x50: {  	(v2sf) =	vpush v7, $0xF;
	_ =	sdelay $0xe  }
0x51: {  	s0 =	spop (v2sf)  }
0x52: {  	p2 =	sgt.f32 s0, $8.999999760e-01  }
.Ltmp6:
0x53: {  	_ = 	snop;
	(pc) =	sbr.rel @!p2 .LBB2_17-.Ltmp6, $1  }
0x54: {  	_ =	sdelay $0x3  }
0x55: {  	v7 =	vbroadcast v7, $0xF;
	_ =	sdelay $0x1  }
0x56: {  	v5 =	vxor.u32 $0x80000000, v5;
	vm0 =	veq.f32 v6, v7  }
0x57: {  	v5 =	vnsel vm0, $0xFFFFFFFF, v5  }
0x58: {  	(xrf0) =	vmin.scan.msk.u32 $0xffff, v5;
	_ =	sdelay $0x5  }
0x59: {  	v5, _, _ =	vpop (xrf0)  }
0x5a: {  	(v2sf) =	vpush v5, $0xF;
	_ =	sdelay $0xe  }
0x5b: {  	s0 =	spop (v2sf)  }
0x5c: {  	s0 =	sxor.u32 $0x80000000, s0  }
0x5d: {  	v5 =	vmov s0;
	_ =	sdelay $0x4  }
0x5e: {  	v5 =	vld.idx.msk [tilespmem:v5+s22+$0x0], $0xffff;
	_ =	sdelay $0x4  }
0x5f: {  	v5 =	vxor.u32 $0x80000000, v5  }
0x60: {  	(xrf0) =	vmin.scan.msk.u32 $0xffff, v5;
	_ =	sdelay $0x5  }
0x61: {  	v5, _, _ =	vpop (xrf0)  }
0x62: {  	(v2sf) =	vpush v5, $0xF;
	_ =	sdelay $0xe  }
0x63: {  	s1 =	spop (v2sf)  }
0x64: {  	s1 =	sxor.u32 $0x80000000, s1  }
0x65: {  	p2 =	sgt.s32 s0, s1;
	s29 =	smov.u32 s1  }
0x66: {  	s29 =	smov.u32 @p2 s0  }
0x67: {  	v5 =	vmov s29;
	_ =	sdelay $0x1  }
0x68: {  	p2 =	slt.s32 s0, s1  }
.Ltmp7:
0x69: {  	s1 =	smov.u32 @p2 s0;
	(pc) =	sbr.rel .LBB2_8-.Ltmp7, $4  }
0x6a: {  	v6 =	vmov s1  }
0x6b: {  	[tilespmem:v5+s23+$0x0] =	vst.idx.msk $0x1, v6  }
0x6c: {  	s30 =	simm.s32 $0x0;
	[tilespmem:v5+s26+$0x0] =	vst.idx.msk $0x1, v1  }
0x6d: {  	[smem:$0x0] =	sst s21;
	[tilespmem:v5+s30+$0x0] =	vst.idx.msk $0x1, v4  }
.LBB2_14:
0x6e: {  	s30 =	sadd.s32 $0x1, s30  }
0x6f: {  	p2 =	seq.s32 s30, $0x3F  }
.Ltmp8:
0x70: {  	_ = 	snop;
	(pc) =	sbr.rel @p2 .LBB2_15-.Ltmp8, $1  }
0x71: {  	_ =	sdelay $0x3  }
.LBB2_8:
0x72: {  	s31 =	sshll.u32 s30, $0x4  }
0x73: {  	v6 =	vld [tilespmem:s31+$0x400]  }
0x74: {  	v7 =	vld [tilespmem:s31+$0x800];
	_ =	sdelay $0x4  }
0x75: {  	vm0 =	veq.s32 v6, v5;
	vm1 =	vgt.f32 v7, $5.000000000e-01  }
0x76: {  	vm0 =	vmand vm0, vm1  }
0x77: {  	v6 =	vmpcnt.ones.xlane vm0;
	_ =	sdelay $0x1  }
0x78: {  	v6 =	vxor.u32 $0x80000000, v6  }
0x79: {  	(xrf0) =	vmax.scan.msk.u32 $0xffff, v6;
	_ =	sdelay $0x5  }
0x7a: {  	v6, _, _ =	vpop (xrf0)  }
0x7b: {  	(v2sf) =	vpush v6, $0xF;
	_ =	sdelay $0xe  }
0x7c: {  	s0 =	spop (v2sf)  }
0x7d: {  	p2 =	slt.u32 s0, $0x80000001  }
.Ltmp9:
0x7e: {  	_ = 	snop;
	(pc) =	sbr.rel @p2 .LBB2_14-.Ltmp9, $4  }
.Ltmp10:
0x7f: {  	_ = 	snop;
	(pc) =	sbr.rel @!p2 .LBB2_9-.Ltmp10, $4  }
0x80: {  	_ = 	snop  }
0x81: {  	_ = 	snop  }
0x82: {  	s1 =	simm.s32 $0x0  }
0x83: {  	_ = 	snop  }
.LBB2_13:
0x84: {  	s1 =	sadd.s32 $0x1, s1  }
0x85: {  	p2 =	sne.s32 s1, $0x10  }
.Ltmp11:
0x86: {  	_ = 	snop;
	(pc) =	sbr.rel @!p2 .LBB2_14-.Ltmp11, $1  }
0x87: {  	_ =	sdelay $0x3  }
.LBB2_9:
0x88: {  	s0 =	sor.u32 s31, s1  }
0x89: {  	v6 =	vmov s0;
	_ =	sdelay $0x4  }
0x8a: {  	v7 =	vld.idx.msk [tilespmem:v6+s22+$0x0], $0xffff;
	_ =	sdelay $0x1  }
0x8b: {  	v8 =	vld.idx.msk [tilespmem:v6+s26+$0x0], $0xffff;
	_ =	sdelay $0x2  }
0x8c: {  	v7 =	vxor.u32 $0x80000000, v7  }
0x8d: {  	(xrf0) =	vmin.scan.msk.u32 $0xffff, v7  }
0x8e: {  	(xrf0) =	vmin.scan.msk.f32 $0xffff, v8;
	_ =	sdelay $0x4  }
0x8f: {  	v7, _, _ =	vpop (xrf0)  }
0x90: {  	(v2sf) =	vpush v7, $0xF;
	v7, _, _ =	vpop (xrf0)  }
0x91: {  	(v2sf) =	vpush v7, $0xF;
	_ =	sdelay $0xd  }
0x92: {  	s15 =	spop (v2sf)  }
0x93: {  	s16 =	spop (v2sf)  }
0x94: {  	p2 =	sgt.f32 s16, $5.000000000e-01  }
0x95: {  	s15 =	sxor.u32 s29, s15  }
0x96: {  	p3 =	sne.s32 @p2 s15, $0x80000000  }
0x97: {  	p2 =	por !p2, p3  }
.Ltmp12:
0x98: {  	_ = 	snop;
	(pc) =	sbr.rel @p2 .LBB2_13-.Ltmp12, $1  }
0x99: {  	_ =	sdelay $0x3  }
0x9a: {  	s0 =	sshll.u32 s0, $0xA  }
0x9b: {  	s15 =	sshll.u32 s1, $0x7;
	s0 =	sand.u32 $0xFE000, s0  }
0x9c: {  	s15 =	sand.u32 $0x380, s15;
	s0 =	sadd.s32 s12, s0  }
0x9d: {  	s0 =	sor.u32 s15, s0  }
0x9e: {  	s0 =	sshrl.u32 s0, $0x3  }
0x9f: {  	s16 =	sadd.s32 s4, s0;
	s0 =	simm.s32 $0x1000  }
0xa0: {  	[tilespmem:s0], [sflag:$0x1] =	stream.strided.gather [hbm4b:s16+s19], $0x400, s22, s19, $0x38;
	[tilespmem:$0x11900] =	vst v63  }
0xa1: {  	_ =	swait.ge [sflag:s21], $0x400  }
0xa2: {  	[sflag:s21] =	ssyncset.done $0x0  }
0xa3: {  	s17 =	simm.s32 $0x800;
	[sflag:s21] =	ssyncadd.s32 $0xFFFFFC00  }
0xa4: {  	v10 =	vld [tilespmem:s17+$0x0];
	_ =	sdelay $0x1  }
0xa5: {  	v9 =	vld [tilespmem:s0+$0x0];
	_ =	sdelay $0x2  }
0xa6: {  	v8 =	vimm.f32 $-3.000000000e+00;
	v7 =	vimm.s32 $0x0;
	s15 =	simm.s32 $0x0;
	s16 =	simm.s32 $0x10;
	s17 =	simm.s32 $0x810;
	vm0 =	vgt.f32 v10, $5.000000000e-01  }
.LBB2_11:
0xa7: {  	p2 =	sne.s32 s16, $0x3E0  }
0xa8: {  	v10 =	vld [tilespmem:s17+$0x0];
	v11 =	vnsel vm0, $0xC0000000, v9;
	s0 =	sadd.s32 $0x10, s0;
	s14 =	smov.u32 s16;
	s16 =	sadd.s32 $0x10, s16  }
.Ltmp13:
0xa9: {  	v12 =	vor.u32 s15, v0;
	v9 =	vld [tilespmem:s0+$0x0];
	vm0 =	vgt.f32 v11, v8;
	s15 =	smov.u32 s14;
	(pc) =	sbr.rel @p2 .LBB2_11-.Ltmp13, $2  }
0xaa: {  	v8 =	vsel vm0, v11, v8;
	v7 =	vsel vm0, v12, v7;
	_ =	sdelay $0x2  }
0xab: {  	s17 =	sadd.s32 $0x10, s17;
	vm0 =	vgt.f32 v10, $5.000000000e-01  }
0xac: {  	v9 =	vnsel vm0, $0xC0000000, v9  }
0xad: {  	vm0 =	vgt.f32 v9, v8  }
0xae: {  	v8 =	vsel vm0, v9, v8  }
0xaf: {  	(xrf0) =	vmax.scan.msk.f32 $0xffff, v8;
	_ =	sdelay $0x5  }
0xb0: {  	v63, _, _ =	vpop (xrf0)  }
0xb1: {  	v10 =	vor.u32 s15, v0;
	v9 =	vbroadcast v63, $0xF  }
0xb2: {  	v7 =	vsel vm0, v10, v7  }
0xb3: {  	v7 =	vxor.u32 $0x80000000, v7;
	vm15 =	veq.f32 v8, v9  }
0xb4: {  	v7 =	vnsel vm15, $0xFFFFFFFF, v7  }
0xb5: {  	(xrf0) =	vmin.scan.msk.u32 $0xffff, v7;
	_ =	sdelay $0x5  }
0xb6: {  	v7, _, _ =	vpop (xrf0)  }
0xb7: {  	(v2sf) =	vpush v7, $0xF;
	_ =	sdelay $0xd  }
.Ltmp14:
0xb8: {  	_ = 	snop;
	(pc) =	sbr.rel .LBB2_13-.Ltmp14, $4  }
0xb9: {  	s0 =	spop (v2sf)  }
0xba: {  	s0 =	sxor.u32 $0x80000000, s0  }
0xbb: {  	[tilespmem:v6+s3+$0x0] =	vst.idx.msk $0x1, v9;
	v7 =	vmov s0  }
0xbc: {  	[tilespmem:v6+s22+$0x0] =	vst.idx.msk $0x1, v7  }
.LBB2_17:
0xbd: {  	[hbm4b:s13+s19] =	stream.strided.scatter [tilespmem:s23], [sflag:$0x1], $0x400, s20, s19, $0x38;
	[tilespmem:$0x11900] =	vst v63  }
0xbe: {  	_ =	swait.ge [sflag:s21], $0x400  }
0xbf: {  	[sflag:s21] =	ssyncset.done $0x0  }
0xc0: {  	[sflag:s21] =	ssyncadd.s32 $0xFFFFFC00  }
0xc1: {  	[bflag:$0x0] =	sbarrier.arrive $0xFFFF  }
0xc2: {  	s0 =	sld [smem:$0x0];
	_ =	sdelay $0x2  }
0xc3: {  	p2 =	seq.s32 s0, $0x0  }
.Ltmp15:
0xc4: {  	_ = 	snop;
	(pc) =	sbr.rel @p2 .LBB2_70-.Ltmp15, $2  }
0xc5: {  	_ =	sdelay $0x2  }
0xc6: {  	s1 =	simm.s32 $0x0;
	s0 =	simm.s32 $0x0  }
.LBB2_18:
0xc7: {  	p2 =	sne.s32 s1, $0xF80  }
.Ltmp16:
0xc8: {  	_ = 	snop;
	(pc) =	sbr.rel @p2 .LBB2_18-.Ltmp16, $3  }
0xc9: {  	_ =	sdelay $0x1  }
0xca: {  	s14 =	sshra.s32 s1, $0x2  }
0xcb: {  	s1 =	sadd.s32 $0x40, s1;
	[tilespmem:s14+$0x1400] =	vst v1  }
0xcc: {  	s1 =	simm.s32 $0xC00  }
0xcd: {  	s15 =	simm.s32 $0x10;
	v5 =	vld [tilespmem:s1+$0x0]  }
.LBB2_20:
0xce: {  	p2 =	sne.s32 s15, $0x3E0;
	v6 =	vmov s0;
	s0 =	smov.u32 s15  }
0xcf: {  	vm0 =	vlt.u32 v6, v2;
	_ =	sdelay $0x2  }
.Ltmp17:
0xd0: {  	(pc) =	sbr.rel @p2 .LBB2_20-.Ltmp17, $3  }
0xd1: {  	_ =	sdelay $0x1  }
0xd2: {  	s1 =	sadd.s32 $0x10, s1;
	[tilespmem:v5+s24+$0x0] =	vst.idx.add.f32.msk vm0, v3  }
0xd3: {  	s15 =	sadd.s32 $0x10, s15;
	v5 =	vld [tilespmem:s1+$0x0]  }
0xd4: {  	_ = 	snop  }
0xd5: {  	v6 =	vmov s0  }
0xd6: {  	vm0 =	vlt.u32 v6, v2;
	_ =	sdelay $0x3  }
0xd7: {  	s29 =	simm.s32 $0x0  }
0xd8: {  	s16 =	sand.u32 $0xF800, s29;
	s1 =	sand.u32 $0x380, s29  }
0xd9: {  	s1 =	sor.u32 s1, s16;
	[tilespmem:v5+s24+$0x0] =	vst.idx.add.f32.msk vm0, v3  }
0xda: {  	[tilespmem:s1+$0x1C70] =	vst v1  }
0xdb: {  	[tilespmem:s1+$0x1800] =	vst v1  }
0xdc: {  	[tilespmem:s1+$0x1810] =	vst v1  }
0xdd: {  	[tilespmem:s1+$0x1820] =	vst v1  }
0xde: {  	[tilespmem:s1+$0x1830] =	vst v1  }
0xdf: {  	[tilespmem:s1+$0x1840] =	vst v1  }
0xe0: {  	[tilespmem:s1+$0x1850] =	vst v1  }
0xe1: {  	[tilespmem:s1+$0x1860] =	vst v1  }
0xe2: {  	[tilespmem:s1+$0x1870] =	vst v1  }
0xe3: {  	[tilespmem:s1+$0x1C00] =	vst v1  }
0xe4: {  	[tilespmem:s1+$0x1C10] =	vst v1  }
0xe5: {  	[tilespmem:s1+$0x1C20] =	vst v1  }
0xe6: {  	[tilespmem:s1+$0x1C30] =	vst v1  }
0xe7: {  	s17 =	simm.s32 $0x100;
	s30 =	simm.s32 $0x80;
	[tilespmem:s1+$0x1C40] =	vst v1  }
0xe8: {  	s31 =	simm.s32 $0x200;
	s0 =	sand.u32 $0xF800, s17;
	s15 =	sand.u32 $0x380, s30;
	[tilespmem:s1+$0x1C50] =	vst v1  }
.LBB2_22:
0xe9: {  	p2 =	sne.s32 s31, $0xFF00;
	[tilespmem:s1+$0x1C60] =	vst v1;
	s1 =	sor.u32 s15, s0  }
0xea: {  	[tilespmem:s1+$0x1C70] =	vst v1  }
0xeb: {  	[tilespmem:s1+$0x1800] =	vst v1  }
0xec: {  	[tilespmem:s1+$0x1810] =	vst v1  }
0xed: {  	[tilespmem:s1+$0x1820] =	vst v1  }
0xee: {  	[tilespmem:s1+$0x1830] =	vst v1  }
0xef: {  	[tilespmem:s1+$0x1840] =	vst v1  }
0xf0: {  	[tilespmem:s1+$0x1850] =	vst v1  }
0xf1: {  	[tilespmem:s1+$0x1860] =	vst v1  }
0xf2: {  	[tilespmem:s1+$0x1870] =	vst v1  }
0xf3: {  	[tilespmem:s1+$0x1C00] =	vst v1  }
.Ltmp18:
0xf4: {  	[tilespmem:s1+$0x1C10] =	vst v1;
	(pc) =	sbr.rel @p2 .LBB2_22-.Ltmp18, $4  }
0xf5: {  	[tilespmem:s1+$0x1C20] =	vst v1  }
0xf6: {  	[tilespmem:s1+$0x1C30] =	vst v1  }
0xf7: {  	s30 =	sadd.s32 $0x80, s30;
	[tilespmem:s1+$0x1C40] =	vst v1  }
0xf8: {  	s0 =	sand.u32 $0xF800, s31;
	s31 =	sadd.s32 $0x100, s31;
	s15 =	sand.u32 $0x380, s30;
	[tilespmem:s1+$0x1C50] =	vst v1  }
0xf9: {  	s0 =	sor.u32 s15, s0;
	[tilespmem:s1+$0x1C60] =	vst v1  }
0xfa: {  	[tilespmem:s0+$0x1C70] =	vst v1  }
0xfb: {  	[tilespmem:s0+$0x1800] =	vst v1  }
0xfc: {  	[tilespmem:s0+$0x1810] =	vst v1  }
0xfd: {  	[tilespmem:s0+$0x1820] =	vst v1  }
0xfe: {  	[tilespmem:s0+$0x1830] =	vst v1  }
0xff: {  	[tilespmem:s0+$0x1840] =	vst v1  }
0x100: {  	[tilespmem:s0+$0x1850] =	vst v1  }
0x101: {  	[tilespmem:s0+$0x1860] =	vst v1  }
0x102: {  	[tilespmem:s0+$0x1870] =	vst v1  }
0x103: {  	[tilespmem:s0+$0x1C00] =	vst v1  }
0x104: {  	[tilespmem:s0+$0x1C10] =	vst v1  }
.Ltmp19:
0x105: {  	[tilespmem:s0+$0x1C20] =	vst v1;
	(pc) =	sbr.rel .LBB2_24-.Ltmp19, $4  }
0x106: {  	[tilespmem:s0+$0x1C30] =	vst v1  }
0x107: {  	[tilespmem:s0+$0x1C40] =	vst v1  }
0x108: {  	[tilespmem:s0+$0x1C50] =	vst v1  }
0x109: {  	[tilespmem:s0+$0x1C60] =	vst v1  }
.LBB2_28:
0x10a: {  	s29 =	sadd.s32 $0x1, s29  }
0x10b: {  	p2 =	sne.s32 s29, $0x3E8  }
.Ltmp20:
0x10c: {  	_ = 	snop;
	(pc) =	sbr.rel @!p2 .LBB2_29-.Ltmp20, $2  }
0x10d: {  	_ =	sdelay $0x2  }
0x10e: {  	s1 =	simm.s32 $0x0  }
.LBB2_24:
0x10f: {  	v5 =	vmov s29;
	_ =	sdelay $0x4  }
0x110: {  	v5 =	vld.idx.msk [tilespmem:v5+s23+$0x0], $0xffff;
	_ =	sdelay $0x4  }
0x111: {  	v5 =	vxor.u32 $0x80000000, v5  }
0x112: {  	(xrf0) =	vmin.scan.msk.u32 $0xffff, v5;
	_ =	sdelay $0x5  }
0x113: {  	v5, _, _ =	vpop (xrf0)  }
0x114: {  	(v2sf) =	vpush v5, $0xF;
	_ =	sdelay $0xe  }
0x115: {  	s0 =	spop (v2sf)  }
0x116: {  	p2 =	sgt.s32 s0, $0x800000FF  }
.Ltmp21:
0x117: {  	_ = 	snop;
	(pc) =	sbr.rel @p2 .LBB2_28-.Ltmp21, $1  }
0x118: {  	_ =	sdelay $0x3  }
0x119: {  	s1 =	sshll.u32 s29, $0x8  }
0x11a: {  	s14 =	sshll.u32 s29, $0x7;
	s1 =	sand.u32 $0x3F800, s1  }
0x11b: {  	s14 =	sand.u32 $0x380, s14;
	s1 =	sadd.s32 s6, s1  }
0x11c: {  	s15 =	sshll.u32 s0, $0x8;
	s16 =	sshll.u32 s0, $0x7;
	s1 =	sor.u32 s14, s1  }
0x11d: {  	s0 =	sand.u32 $0x380, s16;
	s14 =	sand.u32 $0xF800, s15;
	s1 =	sshrl.u32 s1, $0x3  }
0x11e: {  	s15 =	simm.s32 $0x0;
	s17 =	sadd.s32 s2, s1;
	s1 =	simm.s32 $0x11800  }
0x11f: {  	[tilespmem:s1], [sflag:$0x1] =	stream.strided.gather [hbm4b:s17+s19], $0x100, s22, s19, $0x38;
	[tilespmem:$0x11900] =	vst v63  }
0x120: {  	s0 =	sor.u32 s0, s14;
	s17 =	sand.u32 $0x1000, s15;
	_ =	swait.ge [sflag:s21], $0x100  }
0x121: {  	s30 =	sadd.s32 $0x1800, s0;
	s16 =	sshrl.u32 s17, $0x2;
	[sflag:s21] =	ssyncset.done $0x0  }
0x122: {  	s17 =	sand.u32 $0x70, s15;
	s0 =	sadd.s32 s16, s30;
	[sflag:s21] =	ssyncadd.s32 $0xFFFFFF00  }
0x123: {  	s0 =	sadd.s32 s17, s0;
	v5 =	vld [tilespmem:s1+$0x0]  }
0x124: {  	v6 =	vld [tilespmem:s0+$0x0];
	_ =	sdelay $0x3  }
0x125: {  	s15 =	simm.s32 $0x200  }
0x126: {  	s31 =	simm.s32 $0x20;
	s16 =	simm.s32 $0x10;
	s17 =	sand.u32 $0x1000, s15;
	v5 =	vadd.f32 v5, v6  }
.LBB2_26:
0x127: {  	p2 =	sne.s32 s31, $0xF0;
	s14 =	sshrl.u32 s17, $0x2  }
0x128: {  	s16 =	sand.u32 $0x70, s16;
	s1 =	sadd.s32 $0x10, s1;
	s14 =	sadd.s32 s14, s30;
	[tilespmem:s0+$0x0] =	vst v5  }
0x129: {  	s0 =	sadd.s32 s16, s14;
	v5 =	vld [tilespmem:s1+$0x0];
	s16 =	smov.u32 s31  }
0x12a: {  	v6 =	vld [tilespmem:s0+$0x0]  }
.Ltmp22:
0x12b: {  	(pc) =	sbr.rel @p2 .LBB2_26-.Ltmp22, $3  }
0x12c: {  	_ =	sdelay $0x1  }
0x12d: {  	s15 =	sadd.s32 $0x200, s15  }
0x12e: {  	s17 =	sand.u32 $0x1000, s15;
	s31 =	sadd.s32 $0x10, s31;
	v5 =	vadd.f32 v5, v6  }
0x12f: {  	s14 =	sshrl.u32 s17, $0x2  }
0x130: {  	s15 =	sand.u32 $0x70, s16;
	s14 =	sadd.s32 s14, s30;
	[tilespmem:s0+$0x0] =	vst v5;
	s30 =	sadd.s32 $0x10, s1  }
0x131: {  	s31 =	sadd.s32 s15, s14;
	v5 =	vld [tilespmem:s30+$0x0]  }
0x132: {  	v6 =	vld [tilespmem:s31+$0x0];
	_ =	sdelay $0x2  }
.Ltmp23:
0x133: {  	_ = 	snop;
	(pc) =	sbr.rel .LBB2_28-.Ltmp23, $3  }
0x134: {  	_ = 	snop  }
0x135: {  	v5 =	vadd.f32 v5, v6;
	_ =	sdelay $0x1  }
0x136: {  	[tilespmem:s31+$0x0] =	vst v5  }
.LBB2_29:
0x137: {  	s29 =	simm.s32 $0x0  }
.LBB2_30:
0x138: {  	v5 =	vmov s29;
	_ =	sdelay $0x4  }
0x139: {  	v5 =	vld.idx.msk [tilespmem:v5+s24+$0x0], $0xffff;
	_ =	sdelay $0x4  }
0x13a: {  	s0 =	sshll.u32 s29, $0x8;
	s14 =	sshll.u32 s29, $0x7;
	v5 =	vmax.f32 v5, $1.000000000e+00  }
0x13b: {  	s0 =	sand.u32 $0xF800, s0;
	s14 =	sand.u32 $0x380, s14;
	(erf) = vrcp.f32 v5  }
0x13c: {  	s0 =	sor.u32 s14, s0  }
0x13d: {  	s17 =	sand.u32 $0x400, s1;
	s0 =	sadd.s32 $0x1800, s0  }
0x13e: {  	s15 =	sand.u32 $0x70, s1;
	s14 =	sadd.s32 s17, s0  }
0x13f: {  	s30 =	sadd.s32 s15, s14  }
0x140: {  	v6 =	vld [tilespmem:s30+$0x0];
	_ =	sdelay $0x3  }
0x141: {  	s15 =	simm.s32 $0x80;
	v5 =	vpop (erf)  }
0x142: {  	s16 =	simm.s32 $0x20;
	s17 =	simm.s32 $0x10;
	s31 =	sand.u32 $0x400, s15;
	v6 =	vmul.f32 v6, v5  }
.LBB2_31:
0x143: {  	p2 =	sne.s32 s16, $0xF0;
	s14 =	sand.u32 $0x70, s17;
	s17 =	sadd.s32 s31, s0  }
0x144: {  	[tilespmem:s30+$0x0] =	vst v6;
	s30 =	sadd.s32 s14, s17;
	s17 =	smov.u32 s16  }
0x145: {  	v6 =	vld [tilespmem:s30+$0x0]  }
.Ltmp24:
0x146: {  	(pc) =	sbr.rel @p2 .LBB2_31-.Ltmp24, $3  }
0x147: {  	_ =	sdelay $0x1  }
0x148: {  	s15 =	sadd.s32 $0x80, s15  }
0x149: {  	s31 =	sand.u32 $0x400, s15;
	s16 =	sadd.s32 $0x10, s16;
	v6 =	vmul.f32 v6, v5  }
0x14a: {  	s14 =	sand.u32 $0x70, s17;
	s0 =	sadd.s32 s31, s0  }
0x14b: {  	s0 =	sadd.s32 s14, s0;
	[tilespmem:s30+$0x0] =	vst v6  }
0x14c: {  	v6 =	vld [tilespmem:s0+$0x0]  }
0x14d: {  	s29 =	sadd.s32 $0x1, s29  }
0x14e: {  	p2 =	sne.s32 s29, $0x100  }
.Ltmp25:
0x14f: {  	_ = 	snop;
	(pc) =	sbr.rel @p2 .LBB2_30-.Ltmp25, $3  }
0x150: {  	_ = 	snop  }
0x151: {  	v5 =	vmul.f32 v6, v5;
	_ =	sdelay $0x1  }
0x152: {  	[tilespmem:s0+$0x0] =	vst v5  }
0x153: {  	s29 =	simm.s32 $0x0;
	s0 =	rddreg [dreg:$0x5]  }
0x154: {  	[hbm4b:s0+s29] =	stream.linear.scatter [tilespmem:s25], [sflag:$0x1], $0x10000, $0x38;
	[tilespmem:$0x11900] =	vst v63  }
0x155: {  	_ =	swait.ge [sflag:s21], $0x10000  }
0x156: {  	s16 =	sand.u32 $0xF800, s29;
	s1 =	sand.u32 $0x380, s29;
	[sflag:s21] =	ssyncset.done $0x0  }
0x157: {  	s1 =	sor.u32 s1, s16;
	[sflag:s21] =	ssyncadd.s32 $0xFFFF0000  }
0x158: {  	[tilespmem:s1+$0x1C70] =	vst v1  }
0x159: {  	[tilespmem:s1+$0x1800] =	vst v1  }
0x15a: {  	[tilespmem:s1+$0x1810] =	vst v1  }
0x15b: {  	[tilespmem:s1+$0x1820] =	vst v1  }
0x15c: {  	[tilespmem:s1+$0x1830] =	vst v1  }
0x15d: {  	[tilespmem:s1+$0x1840] =	vst v1  }
0x15e: {  	[tilespmem:s1+$0x1850] =	vst v1  }
0x15f: {  	[tilespmem:s1+$0x1860] =	vst v1  }
0x160: {  	[tilespmem:s1+$0x1870] =	vst v1  }
0x161: {  	[tilespmem:s1+$0x1C00] =	vst v1  }
0x162: {  	[tilespmem:s1+$0x1C10] =	vst v1  }
0x163: {  	[tilespmem:s1+$0x1C20] =	vst v1  }
0x164: {  	[tilespmem:s1+$0x1C30] =	vst v1  }
0x165: {  	s17 =	simm.s32 $0x100;
	s30 =	simm.s32 $0x80;
	[tilespmem:s1+$0x1C40] =	vst v1  }
0x166: {  	s31 =	simm.s32 $0x200;
	s0 =	sand.u32 $0xF800, s17;
	s15 =	sand.u32 $0x380, s30;
	[tilespmem:s1+$0x1C50] =	vst v1  }
.LBB2_34:
0x167: {  	p2 =	sne.s32 s31, $0xFF00;
	[tilespmem:s1+$0x1C60] =	vst v1;
	s1 =	sor.u32 s15, s0  }
0x168: {  	[tilespmem:s1+$0x1C70] =	vst v1  }
0x169: {  	[tilespmem:s1+$0x1800] =	vst v1  }
0x16a: {  	[tilespmem:s1+$0x1810] =	vst v1  }
0x16b: {  	[tilespmem:s1+$0x1820] =	vst v1  }
0x16c: {  	[tilespmem:s1+$0x1830] =	vst v1  }
0x16d: {  	[tilespmem:s1+$0x1840] =	vst v1  }
0x16e: {  	[tilespmem:s1+$0x1850] =	vst v1  }
0x16f: {  	[tilespmem:s1+$0x1860] =	vst v1  }
0x170: {  	[tilespmem:s1+$0x1870] =	vst v1  }
0x171: {  	[tilespmem:s1+$0x1C00] =	vst v1  }
.Ltmp26:
0x172: {  	[tilespmem:s1+$0x1C10] =	vst v1;
	(pc) =	sbr.rel @p2 .LBB2_34-.Ltmp26, $4  }
0x173: {  	[tilespmem:s1+$0x1C20] =	vst v1  }
0x174: {  	[tilespmem:s1+$0x1C30] =	vst v1  }
0x175: {  	s30 =	sadd.s32 $0x80, s30;
	[tilespmem:s1+$0x1C40] =	vst v1  }
0x176: {  	s0 =	sand.u32 $0xF800, s31;
	s31 =	sadd.s32 $0x100, s31;
	s15 =	sand.u32 $0x380, s30;
	[tilespmem:s1+$0x1C50] =	vst v1  }
0x177: {  	s0 =	sor.u32 s15, s0;
	[tilespmem:s1+$0x1C60] =	vst v1  }
0x178: {  	[tilespmem:s0+$0x1C70] =	vst v1  }
0x179: {  	[tilespmem:s0+$0x1800] =	vst v1  }
0x17a: {  	[tilespmem:s0+$0x1810] =	vst v1  }
0x17b: {  	[tilespmem:s0+$0x1820] =	vst v1  }
0x17c: {  	[tilespmem:s0+$0x1830] =	vst v1  }
0x17d: {  	[tilespmem:s0+$0x1840] =	vst v1  }
0x17e: {  	[tilespmem:s0+$0x1850] =	vst v1  }
0x17f: {  	[tilespmem:s0+$0x1860] =	vst v1  }
0x180: {  	[tilespmem:s0+$0x1870] =	vst v1  }
0x181: {  	[tilespmem:s0+$0x1C00] =	vst v1  }
0x182: {  	[tilespmem:s0+$0x1C10] =	vst v1  }
.Ltmp27:
0x183: {  	[tilespmem:s0+$0x1C20] =	vst v1;
	(pc) =	sbr.rel .LBB2_36-.Ltmp27, $4  }
0x184: {  	[tilespmem:s0+$0x1C30] =	vst v1  }
0x185: {  	[tilespmem:s0+$0x1C40] =	vst v1  }
0x186: {  	[tilespmem:s0+$0x1C50] =	vst v1  }
0x187: {  	[tilespmem:s0+$0x1C60] =	vst v1  }
.LBB2_40:
0x188: {  	s29 =	sadd.s32 $0x1, s29  }
0x189: {  	p2 =	sne.s32 s29, $0x3E8  }
.Ltmp28:
0x18a: {  	_ = 	snop;
	(pc) =	sbr.rel @!p2 .LBB2_41-.Ltmp28, $2  }
0x18b: {  	_ =	sdelay $0x2  }
0x18c: {  	s1 =	simm.s32 $0x0  }
.LBB2_36:
0x18d: {  	v5 =	vmov s29;
	_ =	sdelay $0x4  }
0x18e: {  	v5 =	vld.idx.msk [tilespmem:v5+s23+$0x0], $0xffff;
	_ =	sdelay $0x4  }
0x18f: {  	v5 =	vxor.u32 $0x80000000, v5  }
0x190: {  	(xrf0) =	vmin.scan.msk.u32 $0xffff, v5;
	_ =	sdelay $0x5  }
0x191: {  	v5, _, _ =	vpop (xrf0)  }
0x192: {  	(v2sf) =	vpush v5, $0xF;
	_ =	sdelay $0xe  }
0x193: {  	s0 =	spop (v2sf)  }
0x194: {  	s1 =	sand.u32 $0xFFFFFF00, s0  }
0x195: {  	p2 =	sne.s32 s1, $0x80000100  }
.Ltmp29:
0x196: {  	_ = 	snop;
	(pc) =	sbr.rel @p2 .LBB2_40-.Ltmp29, $1  }
0x197: {  	_ =	sdelay $0x3  }
0x198: {  	s1 =	sshll.u32 s29, $0x8  }
0x199: {  	s14 =	sshll.u32 s29, $0x7;
	s1 =	sand.u32 $0x3F800, s1  }
0x19a: {  	s14 =	sand.u32 $0x380, s14;
	s1 =	sadd.s32 s6, s1  }
0x19b: {  	s15 =	sshll.u32 s0, $0x8;
	s16 =	sshll.u32 s0, $0x7;
	s1 =	sor.u32 s14, s1  }
0x19c: {  	s0 =	sand.u32 $0x380, s16;
	s14 =	sand.u32 $0xF800, s15;
	s1 =	sshrl.u32 s1, $0x3  }
0x19d: {  	s15 =	simm.s32 $0x0;
	s17 =	sadd.s32 s2, s1;
	s1 =	simm.s32 $0x11800  }
0x19e: {  	[tilespmem:s1], [sflag:$0x1] =	stream.strided.gather [hbm4b:s17+s19], $0x100, s22, s19, $0x38;
	[tilespmem:$0x11900] =	vst v63  }
0x19f: {  	s0 =	sor.u32 s0, s14;
	s17 =	sand.u32 $0x1000, s15;
	_ =	swait.ge [sflag:s21], $0x100  }
0x1a0: {  	s30 =	sadd.s32 $0x1800, s0;
	s16 =	sshrl.u32 s17, $0x2;
	[sflag:s21] =	ssyncset.done $0x0  }
0x1a1: {  	s17 =	sand.u32 $0x70, s15;
	s0 =	sadd.s32 s16, s30;
	[sflag:s21] =	ssyncadd.s32 $0xFFFFFF00  }
0x1a2: {  	s0 =	sadd.s32 s17, s0;
	v5 =	vld [tilespmem:s1+$0x0]  }
0x1a3: {  	v6 =	vld [tilespmem:s0+$0x0];
	_ =	sdelay $0x3  }
0x1a4: {  	s15 =	simm.s32 $0x200  }
0x1a5: {  	s31 =	simm.s32 $0x20;
	s16 =	simm.s32 $0x10;
	s17 =	sand.u32 $0x1000, s15;
	v5 =	vadd.f32 v5, v6  }
.LBB2_38:
0x1a6: {  	p2 =	sne.s32 s31, $0xF0;
	s14 =	sshrl.u32 s17, $0x2  }
0x1a7: {  	s16 =	sand.u32 $0x70, s16;
	s1 =	sadd.s32 $0x10, s1;
	s14 =	sadd.s32 s14, s30;
	[tilespmem:s0+$0x0] =	vst v5  }
0x1a8: {  	s0 =	sadd.s32 s16, s14;
	v5 =	vld [tilespmem:s1+$0x0];
	s16 =	smov.u32 s31  }
0x1a9: {  	v6 =	vld [tilespmem:s0+$0x0]  }
.Ltmp30:
0x1aa: {  	(pc) =	sbr.rel @p2 .LBB2_38-.Ltmp30, $3  }
0x1ab: {  	_ =	sdelay $0x1  }
0x1ac: {  	s15 =	sadd.s32 $0x200, s15  }
0x1ad: {  	s17 =	sand.u32 $0x1000, s15;
	s31 =	sadd.s32 $0x10, s31;
	v5 =	vadd.f32 v5, v6  }
0x1ae: {  	s14 =	sshrl.u32 s17, $0x2  }
0x1af: {  	s15 =	sand.u32 $0x70, s16;
	s14 =	sadd.s32 s14, s30;
	[tilespmem:s0+$0x0] =	vst v5;
	s30 =	sadd.s32 $0x10, s1  }
0x1b0: {  	s31 =	sadd.s32 s15, s14;
	v5 =	vld [tilespmem:s30+$0x0]  }
0x1b1: {  	v6 =	vld [tilespmem:s31+$0x0];
	_ =	sdelay $0x2  }
.Ltmp31:
0x1b2: {  	_ = 	snop;
	(pc) =	sbr.rel .LBB2_40-.Ltmp31, $3  }
0x1b3: {  	_ = 	snop  }
0x1b4: {  	v5 =	vadd.f32 v5, v6;
	_ =	sdelay $0x1  }
0x1b5: {  	[tilespmem:s31+$0x0] =	vst v5  }
.LBB2_41:
0x1b6: {  	s29 =	simm.s32 $0x0  }
.LBB2_42:
0x1b7: {  	s0 =	sor.u32 $0x100, s29  }
0x1b8: {  	v5 =	vmov s0;
	_ =	sdelay $0x4  }
0x1b9: {  	v5 =	vld.idx.msk [tilespmem:v5+s24+$0x0], $0xffff;
	_ =	sdelay $0x4  }
0x1ba: {  	s16 =	sshll.u32 s29, $0x8;
	s14 =	sshll.u32 s29, $0x7;
	v5 =	vmax.f32 v5, $1.000000000e+00  }
0x1bb: {  	s0 =	sand.u32 $0xF800, s16;
	s14 =	sand.u32 $0x380, s14;
	(erf) = vrcp.f32 v5  }
0x1bc: {  	s0 =	sor.u32 s14, s0  }
0x1bd: {  	s17 =	sand.u32 $0x400, s1;
	s0 =	sadd.s32 $0x1800, s0  }
0x1be: {  	s15 =	sand.u32 $0x70, s1;
	s14 =	sadd.s32 s17, s0  }
0x1bf: {  	s30 =	sadd.s32 s15, s14  }
0x1c0: {  	v6 =	vld [tilespmem:s30+$0x0];
	_ =	sdelay $0x3  }
0x1c1: {  	s15 =	simm.s32 $0x80;
	v5 =	vpop (erf)  }
0x1c2: {  	s16 =	simm.s32 $0x20;
	s17 =	simm.s32 $0x10;
	s31 =	sand.u32 $0x400, s15;
	v6 =	vmul.f32 v6, v5  }
.LBB2_43:
0x1c3: {  	p2 =	sne.s32 s16, $0xF0;
	s14 =	sand.u32 $0x70, s17;
	s17 =	sadd.s32 s31, s0  }
0x1c4: {  	[tilespmem:s30+$0x0] =	vst v6;
	s30 =	sadd.s32 s14, s17;
	s17 =	smov.u32 s16  }
0x1c5: {  	v6 =	vld [tilespmem:s30+$0x0]  }
.Ltmp32:
0x1c6: {  	(pc) =	sbr.rel @p2 .LBB2_43-.Ltmp32, $3  }
0x1c7: {  	_ =	sdelay $0x1  }
0x1c8: {  	s15 =	sadd.s32 $0x80, s15  }
0x1c9: {  	s31 =	sand.u32 $0x400, s15;
	s16 =	sadd.s32 $0x10, s16;
	v6 =	vmul.f32 v6, v5  }
0x1ca: {  	s14 =	sand.u32 $0x70, s17;
	s0 =	sadd.s32 s31, s0  }
0x1cb: {  	s0 =	sadd.s32 s14, s0;
	[tilespmem:s30+$0x0] =	vst v6  }
0x1cc: {  	v6 =	vld [tilespmem:s0+$0x0]  }
0x1cd: {  	s29 =	sadd.s32 $0x1, s29  }
0x1ce: {  	p2 =	sne.s32 s29, $0x100  }
.Ltmp33:
0x1cf: {  	_ = 	snop;
	(pc) =	sbr.rel @p2 .LBB2_42-.Ltmp33, $3  }
0x1d0: {  	_ = 	snop  }
0x1d1: {  	v5 =	vmul.f32 v6, v5;
	_ =	sdelay $0x1  }
0x1d2: {  	[tilespmem:s0+$0x0] =	vst v5  }
0x1d3: {  	s29 =	simm.s32 $0x0;
	s0 =	rddreg [dreg:$0x6]  }
0x1d4: {  	[hbm4b:s0+s29] =	stream.linear.scatter [tilespmem:s25], [sflag:$0x1], $0x10000, $0x38;
	[tilespmem:$0x11900] =	vst v63  }
0x1d5: {  	_ =	swait.ge [sflag:s21], $0x10000  }
0x1d6: {  	s16 =	sand.u32 $0xF800, s29;
	s1 =	sand.u32 $0x380, s29;
	[sflag:s21] =	ssyncset.done $0x0  }
0x1d7: {  	s1 =	sor.u32 s1, s16;
	[sflag:s21] =	ssyncadd.s32 $0xFFFF0000  }
0x1d8: {  	[tilespmem:s1+$0x1C70] =	vst v1  }
0x1d9: {  	[tilespmem:s1+$0x1800] =	vst v1  }
0x1da: {  	[tilespmem:s1+$0x1810] =	vst v1  }
0x1db: {  	[tilespmem:s1+$0x1820] =	vst v1  }
0x1dc: {  	[tilespmem:s1+$0x1830] =	vst v1  }
0x1dd: {  	[tilespmem:s1+$0x1840] =	vst v1  }
0x1de: {  	[tilespmem:s1+$0x1850] =	vst v1  }
0x1df: {  	[tilespmem:s1+$0x1860] =	vst v1  }
0x1e0: {  	[tilespmem:s1+$0x1870] =	vst v1  }
0x1e1: {  	[tilespmem:s1+$0x1C00] =	vst v1  }
0x1e2: {  	[tilespmem:s1+$0x1C10] =	vst v1  }
0x1e3: {  	[tilespmem:s1+$0x1C20] =	vst v1  }
0x1e4: {  	[tilespmem:s1+$0x1C30] =	vst v1  }
0x1e5: {  	s17 =	simm.s32 $0x100;
	s30 =	simm.s32 $0x80;
	[tilespmem:s1+$0x1C40] =	vst v1  }
0x1e6: {  	s31 =	simm.s32 $0x200;
	s0 =	sand.u32 $0xF800, s17;
	s15 =	sand.u32 $0x380, s30;
	[tilespmem:s1+$0x1C50] =	vst v1  }
.LBB2_46:
0x1e7: {  	p2 =	sne.s32 s31, $0xFF00;
	[tilespmem:s1+$0x1C60] =	vst v1;
	s1 =	sor.u32 s15, s0  }
0x1e8: {  	[tilespmem:s1+$0x1C70] =	vst v1  }
0x1e9: {  	[tilespmem:s1+$0x1800] =	vst v1  }
0x1ea: {  	[tilespmem:s1+$0x1810] =	vst v1  }
0x1eb: {  	[tilespmem:s1+$0x1820] =	vst v1  }
0x1ec: {  	[tilespmem:s1+$0x1830] =	vst v1  }
0x1ed: {  	[tilespmem:s1+$0x1840] =	vst v1  }
0x1ee: {  	[tilespmem:s1+$0x1850] =	vst v1  }
0x1ef: {  	[tilespmem:s1+$0x1860] =	vst v1  }
0x1f0: {  	[tilespmem:s1+$0x1870] =	vst v1  }
0x1f1: {  	[tilespmem:s1+$0x1C00] =	vst v1  }
.Ltmp34:
0x1f2: {  	[tilespmem:s1+$0x1C10] =	vst v1;
	(pc) =	sbr.rel @p2 .LBB2_46-.Ltmp34, $4  }
0x1f3: {  	[tilespmem:s1+$0x1C20] =	vst v1  }
0x1f4: {  	[tilespmem:s1+$0x1C30] =	vst v1  }
0x1f5: {  	s30 =	sadd.s32 $0x80, s30;
	[tilespmem:s1+$0x1C40] =	vst v1  }
0x1f6: {  	s0 =	sand.u32 $0xF800, s31;
	s31 =	sadd.s32 $0x100, s31;
	s15 =	sand.u32 $0x380, s30;
	[tilespmem:s1+$0x1C50] =	vst v1  }
0x1f7: {  	s0 =	sor.u32 s15, s0;
	[tilespmem:s1+$0x1C60] =	vst v1  }
0x1f8: {  	[tilespmem:s0+$0x1C70] =	vst v1  }
0x1f9: {  	[tilespmem:s0+$0x1800] =	vst v1  }
0x1fa: {  	[tilespmem:s0+$0x1810] =	vst v1  }
0x1fb: {  	[tilespmem:s0+$0x1820] =	vst v1  }
0x1fc: {  	[tilespmem:s0+$0x1830] =	vst v1  }
0x1fd: {  	[tilespmem:s0+$0x1840] =	vst v1  }
0x1fe: {  	[tilespmem:s0+$0x1850] =	vst v1  }
0x1ff: {  	[tilespmem:s0+$0x1860] =	vst v1  }
0x200: {  	[tilespmem:s0+$0x1870] =	vst v1  }
0x201: {  	[tilespmem:s0+$0x1C00] =	vst v1  }
0x202: {  	[tilespmem:s0+$0x1C10] =	vst v1  }
.Ltmp35:
0x203: {  	[tilespmem:s0+$0x1C20] =	vst v1;
	(pc) =	sbr.rel .LBB2_48-.Ltmp35, $4  }
0x204: {  	[tilespmem:s0+$0x1C30] =	vst v1  }
0x205: {  	[tilespmem:s0+$0x1C40] =	vst v1  }
0x206: {  	[tilespmem:s0+$0x1C50] =	vst v1  }
0x207: {  	[tilespmem:s0+$0x1C60] =	vst v1  }
.LBB2_52:
0x208: {  	s29 =	sadd.s32 $0x1, s29  }
0x209: {  	p2 =	sne.s32 s29, $0x3E8  }
.Ltmp36:
0x20a: {  	_ = 	snop;
	(pc) =	sbr.rel @!p2 .LBB2_53-.Ltmp36, $2  }
0x20b: {  	_ =	sdelay $0x2  }
0x20c: {  	s1 =	simm.s32 $0x0  }
.LBB2_48:
0x20d: {  	v5 =	vmov s29;
	_ =	sdelay $0x4  }
0x20e: {  	v5 =	vld.idx.msk [tilespmem:v5+s23+$0x0], $0xffff;
	_ =	sdelay $0x4  }
0x20f: {  	v5 =	vxor.u32 $0x80000000, v5  }
0x210: {  	(xrf0) =	vmin.scan.msk.u32 $0xffff, v5;
	_ =	sdelay $0x5  }
0x211: {  	v5, _, _ =	vpop (xrf0)  }
0x212: {  	(v2sf) =	vpush v5, $0xF;
	_ =	sdelay $0xe  }
0x213: {  	s0 =	spop (v2sf)  }
0x214: {  	s1 =	sand.u32 $0xFFFFFF00, s0  }
0x215: {  	p2 =	sne.s32 s1, $0x80000200  }
.Ltmp37:
0x216: {  	_ = 	snop;
	(pc) =	sbr.rel @p2 .LBB2_52-.Ltmp37, $1  }
0x217: {  	_ =	sdelay $0x3  }
0x218: {  	s1 =	sshll.u32 s29, $0x8  }
0x219: {  	s14 =	sshll.u32 s29, $0x7;
	s1 =	sand.u32 $0x3F800, s1  }
0x21a: {  	s14 =	sand.u32 $0x380, s14;
	s1 =	sadd.s32 s6, s1  }
0x21b: {  	s15 =	sshll.u32 s0, $0x8;
	s16 =	sshll.u32 s0, $0x7;
	s1 =	sor.u32 s14, s1  }
0x21c: {  	s0 =	sand.u32 $0x380, s16;
	s14 =	sand.u32 $0xF800, s15;
	s1 =	sshrl.u32 s1, $0x3  }
0x21d: {  	s15 =	simm.s32 $0x0;
	s17 =	sadd.s32 s2, s1;
	s1 =	simm.s32 $0x11800  }
0x21e: {  	[tilespmem:s1], [sflag:$0x1] =	stream.strided.gather [hbm4b:s17+s19], $0x100, s22, s19, $0x38;
	[tilespmem:$0x11900] =	vst v63  }
0x21f: {  	s0 =	sor.u32 s0, s14;
	s17 =	sand.u32 $0x1000, s15;
	_ =	swait.ge [sflag:s21], $0x100  }
0x220: {  	s30 =	sadd.s32 $0x1800, s0;
	s16 =	sshrl.u32 s17, $0x2;
	[sflag:s21] =	ssyncset.done $0x0  }
0x221: {  	s17 =	sand.u32 $0x70, s15;
	s0 =	sadd.s32 s16, s30;
	[sflag:s21] =	ssyncadd.s32 $0xFFFFFF00  }
0x222: {  	s0 =	sadd.s32 s17, s0;
	v5 =	vld [tilespmem:s1+$0x0]  }
0x223: {  	v6 =	vld [tilespmem:s0+$0x0];
	_ =	sdelay $0x3  }
0x224: {  	s15 =	simm.s32 $0x200  }
0x225: {  	s31 =	simm.s32 $0x20;
	s16 =	simm.s32 $0x10;
	s17 =	sand.u32 $0x1000, s15;
	v5 =	vadd.f32 v5, v6  }
.LBB2_50:
0x226: {  	p2 =	sne.s32 s31, $0xF0;
	s14 =	sshrl.u32 s17, $0x2  }
0x227: {  	s16 =	sand.u32 $0x70, s16;
	s1 =	sadd.s32 $0x10, s1;
	s14 =	sadd.s32 s14, s30;
	[tilespmem:s0+$0x0] =	vst v5  }
0x228: {  	s0 =	sadd.s32 s16, s14;
	v5 =	vld [tilespmem:s1+$0x0];
	s16 =	smov.u32 s31  }
0x229: {  	v6 =	vld [tilespmem:s0+$0x0]  }
.Ltmp38:
0x22a: {  	(pc) =	sbr.rel @p2 .LBB2_50-.Ltmp38, $3  }
0x22b: {  	_ =	sdelay $0x1  }
0x22c: {  	s15 =	sadd.s32 $0x200, s15  }
0x22d: {  	s17 =	sand.u32 $0x1000, s15;
	s31 =	sadd.s32 $0x10, s31;
	v5 =	vadd.f32 v5, v6  }
0x22e: {  	s14 =	sshrl.u32 s17, $0x2  }
0x22f: {  	s15 =	sand.u32 $0x70, s16;
	s14 =	sadd.s32 s14, s30;
	[tilespmem:s0+$0x0] =	vst v5;
	s30 =	sadd.s32 $0x10, s1  }
0x230: {  	s31 =	sadd.s32 s15, s14;
	v5 =	vld [tilespmem:s30+$0x0]  }
0x231: {  	v6 =	vld [tilespmem:s31+$0x0];
	_ =	sdelay $0x2  }
.Ltmp39:
0x232: {  	_ = 	snop;
	(pc) =	sbr.rel .LBB2_52-.Ltmp39, $3  }
0x233: {  	_ = 	snop  }
0x234: {  	v5 =	vadd.f32 v5, v6;
	_ =	sdelay $0x1  }
0x235: {  	[tilespmem:s31+$0x0] =	vst v5  }
.LBB2_53:
0x236: {  	s29 =	simm.s32 $0x0  }
.LBB2_54:
0x237: {  	s0 =	sor.u32 $0x200, s29  }
0x238: {  	v5 =	vmov s0;
	_ =	sdelay $0x4  }
0x239: {  	v5 =	vld.idx.msk [tilespmem:v5+s24+$0x0], $0xffff;
	_ =	sdelay $0x4  }
0x23a: {  	s16 =	sshll.u32 s29, $0x8;
	s14 =	sshll.u32 s29, $0x7;
	v5 =	vmax.f32 v5, $1.000000000e+00  }
0x23b: {  	s0 =	sand.u32 $0xF800, s16;
	s14 =	sand.u32 $0x380, s14;
	(erf) = vrcp.f32 v5  }
0x23c: {  	s0 =	sor.u32 s14, s0  }
0x23d: {  	s17 =	sand.u32 $0x400, s1;
	s0 =	sadd.s32 $0x1800, s0  }
0x23e: {  	s15 =	sand.u32 $0x70, s1;
	s14 =	sadd.s32 s17, s0  }
0x23f: {  	s30 =	sadd.s32 s15, s14  }
0x240: {  	v6 =	vld [tilespmem:s30+$0x0];
	_ =	sdelay $0x3  }
0x241: {  	s15 =	simm.s32 $0x80;
	v5 =	vpop (erf)  }
0x242: {  	s16 =	simm.s32 $0x20;
	s17 =	simm.s32 $0x10;
	s31 =	sand.u32 $0x400, s15;
	v6 =	vmul.f32 v6, v5  }
.LBB2_55:
0x243: {  	p2 =	sne.s32 s16, $0xF0;
	s14 =	sand.u32 $0x70, s17;
	s17 =	sadd.s32 s31, s0  }
0x244: {  	[tilespmem:s30+$0x0] =	vst v6;
	s30 =	sadd.s32 s14, s17;
	s17 =	smov.u32 s16  }
0x245: {  	v6 =	vld [tilespmem:s30+$0x0]  }
.Ltmp40:
0x246: {  	(pc) =	sbr.rel @p2 .LBB2_55-.Ltmp40, $3  }
0x247: {  	_ =	sdelay $0x1  }
0x248: {  	s15 =	sadd.s32 $0x80, s15  }
0x249: {  	s31 =	sand.u32 $0x400, s15;
	s16 =	sadd.s32 $0x10, s16;
	v6 =	vmul.f32 v6, v5  }
0x24a: {  	s14 =	sand.u32 $0x70, s17;
	s0 =	sadd.s32 s31, s0  }
0x24b: {  	s0 =	sadd.s32 s14, s0;
	[tilespmem:s30+$0x0] =	vst v6  }
0x24c: {  	v6 =	vld [tilespmem:s0+$0x0]  }
0x24d: {  	s29 =	sadd.s32 $0x1, s29  }
0x24e: {  	p2 =	sne.s32 s29, $0x100  }
.Ltmp41:
0x24f: {  	_ = 	snop;
	(pc) =	sbr.rel @p2 .LBB2_54-.Ltmp41, $3  }
0x250: {  	_ = 	snop  }
0x251: {  	v5 =	vmul.f32 v6, v5;
	_ =	sdelay $0x1  }
0x252: {  	[tilespmem:s0+$0x0] =	vst v5  }
0x253: {  	s29 =	simm.s32 $0x0;
	s0 =	rddreg [dreg:$0x7]  }
0x254: {  	[hbm4b:s0+s29] =	stream.linear.scatter [tilespmem:s25], [sflag:$0x1], $0x10000, $0x38;
	[tilespmem:$0x11900] =	vst v63  }
0x255: {  	_ =	swait.ge [sflag:s21], $0x10000  }
0x256: {  	s16 =	sand.u32 $0xF800, s29;
	s1 =	sand.u32 $0x380, s29;
	[sflag:s21] =	ssyncset.done $0x0  }
0x257: {  	s1 =	sor.u32 s1, s16;
	[sflag:s21] =	ssyncadd.s32 $0xFFFF0000  }
0x258: {  	[tilespmem:s1+$0x1C70] =	vst v1  }
0x259: {  	[tilespmem:s1+$0x1800] =	vst v1  }
0x25a: {  	[tilespmem:s1+$0x1810] =	vst v1  }
0x25b: {  	[tilespmem:s1+$0x1820] =	vst v1  }
0x25c: {  	[tilespmem:s1+$0x1830] =	vst v1  }
0x25d: {  	[tilespmem:s1+$0x1840] =	vst v1  }
0x25e: {  	[tilespmem:s1+$0x1850] =	vst v1  }
0x25f: {  	[tilespmem:s1+$0x1860] =	vst v1  }
0x260: {  	[tilespmem:s1+$0x1870] =	vst v1  }
0x261: {  	[tilespmem:s1+$0x1C00] =	vst v1  }
0x262: {  	[tilespmem:s1+$0x1C10] =	vst v1  }
0x263: {  	[tilespmem:s1+$0x1C20] =	vst v1  }
0x264: {  	[tilespmem:s1+$0x1C30] =	vst v1  }
0x265: {  	s17 =	simm.s32 $0x100;
	s30 =	simm.s32 $0x80;
	[tilespmem:s1+$0x1C40] =	vst v1  }
0x266: {  	s31 =	simm.s32 $0x200;
	s0 =	sand.u32 $0xF800, s17;
	s15 =	sand.u32 $0x380, s30;
	[tilespmem:s1+$0x1C50] =	vst v1  }
.LBB2_58:
0x267: {  	p2 =	sne.s32 s31, $0xFF00;
	[tilespmem:s1+$0x1C60] =	vst v1;
	s1 =	sor.u32 s15, s0  }
0x268: {  	[tilespmem:s1+$0x1C70] =	vst v1  }
0x269: {  	[tilespmem:s1+$0x1800] =	vst v1  }
0x26a: {  	[tilespmem:s1+$0x1810] =	vst v1  }
0x26b: {  	[tilespmem:s1+$0x1820] =	vst v1  }
0x26c: {  	[tilespmem:s1+$0x1830] =	vst v1  }
0x26d: {  	[tilespmem:s1+$0x1840] =	vst v1  }
0x26e: {  	[tilespmem:s1+$0x1850] =	vst v1  }
0x26f: {  	[tilespmem:s1+$0x1860] =	vst v1  }
0x270: {  	[tilespmem:s1+$0x1870] =	vst v1  }
0x271: {  	[tilespmem:s1+$0x1C00] =	vst v1  }
.Ltmp42:
0x272: {  	[tilespmem:s1+$0x1C10] =	vst v1;
	(pc) =	sbr.rel @p2 .LBB2_58-.Ltmp42, $4  }
0x273: {  	[tilespmem:s1+$0x1C20] =	vst v1  }
0x274: {  	[tilespmem:s1+$0x1C30] =	vst v1  }
0x275: {  	s30 =	sadd.s32 $0x80, s30;
	[tilespmem:s1+$0x1C40] =	vst v1  }
0x276: {  	s0 =	sand.u32 $0xF800, s31;
	s31 =	sadd.s32 $0x100, s31;
	s15 =	sand.u32 $0x380, s30;
	[tilespmem:s1+$0x1C50] =	vst v1  }
0x277: {  	s0 =	sor.u32 s15, s0;
	[tilespmem:s1+$0x1C60] =	vst v1  }
0x278: {  	[tilespmem:s0+$0x1C70] =	vst v1  }
0x279: {  	[tilespmem:s0+$0x1800] =	vst v1  }
0x27a: {  	[tilespmem:s0+$0x1810] =	vst v1  }
0x27b: {  	[tilespmem:s0+$0x1820] =	vst v1  }
0x27c: {  	[tilespmem:s0+$0x1830] =	vst v1  }
0x27d: {  	[tilespmem:s0+$0x1840] =	vst v1  }
0x27e: {  	[tilespmem:s0+$0x1850] =	vst v1  }
0x27f: {  	[tilespmem:s0+$0x1860] =	vst v1  }
0x280: {  	[tilespmem:s0+$0x1870] =	vst v1  }
0x281: {  	[tilespmem:s0+$0x1C00] =	vst v1  }
0x282: {  	[tilespmem:s0+$0x1C10] =	vst v1  }
.Ltmp43:
0x283: {  	[tilespmem:s0+$0x1C20] =	vst v1;
	(pc) =	sbr.rel .LBB2_60-.Ltmp43, $4  }
0x284: {  	[tilespmem:s0+$0x1C30] =	vst v1  }
0x285: {  	[tilespmem:s0+$0x1C40] =	vst v1  }
0x286: {  	[tilespmem:s0+$0x1C50] =	vst v1  }
0x287: {  	[tilespmem:s0+$0x1C60] =	vst v1  }
.LBB2_64:
0x288: {  	s29 =	sadd.s32 $0x1, s29  }
0x289: {  	p2 =	sne.s32 s29, $0x3E8  }
.Ltmp44:
0x28a: {  	_ = 	snop;
	(pc) =	sbr.rel @!p2 .LBB2_65-.Ltmp44, $2  }
0x28b: {  	_ =	sdelay $0x2  }
0x28c: {  	s1 =	simm.s32 $0x0  }
.LBB2_60:
0x28d: {  	v5 =	vmov s29;
	_ =	sdelay $0x4  }
0x28e: {  	v5 =	vld.idx.msk [tilespmem:v5+s23+$0x0], $0xffff;
	_ =	sdelay $0x4  }
0x28f: {  	v5 =	vxor.u32 $0x80000000, v5  }
0x290: {  	(xrf0) =	vmin.scan.msk.u32 $0xffff, v5;
	_ =	sdelay $0x5  }
0x291: {  	v5, _, _ =	vpop (xrf0)  }
0x292: {  	(v2sf) =	vpush v5, $0xF;
	_ =	sdelay $0xe  }
0x293: {  	s0 =	spop (v2sf)  }
0x294: {  	s1 =	sand.u32 $0xFFFFFF00, s0  }
0x295: {  	p2 =	sne.s32 s1, $0x80000300  }
.Ltmp45:
0x296: {  	_ = 	snop;
	(pc) =	sbr.rel @p2 .LBB2_64-.Ltmp45, $1  }
0x297: {  	_ =	sdelay $0x3  }
0x298: {  	s1 =	sshll.u32 s29, $0x8  }
0x299: {  	s14 =	sshll.u32 s29, $0x7;
	s1 =	sand.u32 $0x3F800, s1  }
0x29a: {  	s14 =	sand.u32 $0x380, s14;
	s1 =	sadd.s32 s6, s1  }
0x29b: {  	s15 =	sshll.u32 s0, $0x8;
	s16 =	sshll.u32 s0, $0x7;
	s1 =	sor.u32 s14, s1  }
0x29c: {  	s0 =	sand.u32 $0x380, s16;
	s14 =	sand.u32 $0xF800, s15;
	s1 =	sshrl.u32 s1, $0x3  }
0x29d: {  	s15 =	simm.s32 $0x0;
	s17 =	sadd.s32 s2, s1;
	s1 =	simm.s32 $0x11800  }
0x29e: {  	[tilespmem:s1], [sflag:$0x1] =	stream.strided.gather [hbm4b:s17+s19], $0x100, s22, s19, $0x38;
	[tilespmem:$0x11900] =	vst v63  }
0x29f: {  	s0 =	sor.u32 s0, s14;
	s17 =	sand.u32 $0x1000, s15;
	_ =	swait.ge [sflag:s21], $0x100  }
0x2a0: {  	s30 =	sadd.s32 $0x1800, s0;
	s16 =	sshrl.u32 s17, $0x2;
	[sflag:s21] =	ssyncset.done $0x0  }
0x2a1: {  	s17 =	sand.u32 $0x70, s15;
	s0 =	sadd.s32 s16, s30;
	[sflag:s21] =	ssyncadd.s32 $0xFFFFFF00  }
0x2a2: {  	s0 =	sadd.s32 s17, s0;
	v5 =	vld [tilespmem:s1+$0x0]  }
0x2a3: {  	v6 =	vld [tilespmem:s0+$0x0];
	_ =	sdelay $0x3  }
0x2a4: {  	s15 =	simm.s32 $0x200  }
0x2a5: {  	s31 =	simm.s32 $0x20;
	s16 =	simm.s32 $0x10;
	s17 =	sand.u32 $0x1000, s15;
	v5 =	vadd.f32 v5, v6  }
.LBB2_62:
0x2a6: {  	p2 =	sne.s32 s31, $0xF0;
	s14 =	sshrl.u32 s17, $0x2  }
0x2a7: {  	s16 =	sand.u32 $0x70, s16;
	s1 =	sadd.s32 $0x10, s1;
	s14 =	sadd.s32 s14, s30;
	[tilespmem:s0+$0x0] =	vst v5  }
0x2a8: {  	s0 =	sadd.s32 s16, s14;
	v5 =	vld [tilespmem:s1+$0x0];
	s16 =	smov.u32 s31  }
0x2a9: {  	v6 =	vld [tilespmem:s0+$0x0]  }
.Ltmp46:
0x2aa: {  	(pc) =	sbr.rel @p2 .LBB2_62-.Ltmp46, $3  }
0x2ab: {  	_ =	sdelay $0x1  }
0x2ac: {  	s15 =	sadd.s32 $0x200, s15  }
0x2ad: {  	s17 =	sand.u32 $0x1000, s15;
	s31 =	sadd.s32 $0x10, s31;
	v5 =	vadd.f32 v5, v6  }
0x2ae: {  	s14 =	sshrl.u32 s17, $0x2  }
0x2af: {  	s15 =	sand.u32 $0x70, s16;
	s14 =	sadd.s32 s14, s30;
	[tilespmem:s0+$0x0] =	vst v5;
	s30 =	sadd.s32 $0x10, s1  }
0x2b0: {  	s31 =	sadd.s32 s15, s14;
	v5 =	vld [tilespmem:s30+$0x0]  }
0x2b1: {  	v6 =	vld [tilespmem:s31+$0x0];
	_ =	sdelay $0x2  }
.Ltmp47:
0x2b2: {  	_ = 	snop;
	(pc) =	sbr.rel .LBB2_64-.Ltmp47, $3  }
0x2b3: {  	_ = 	snop  }
0x2b4: {  	v5 =	vadd.f32 v5, v6;
	_ =	sdelay $0x1  }
0x2b5: {  	[tilespmem:s31+$0x0] =	vst v5  }
.LBB2_65:
0x2b6: {  	s29 =	simm.s32 $0x0  }
.LBB2_66:
0x2b7: {  	s0 =	sor.u32 $0x300, s29  }
0x2b8: {  	v5 =	vmov s0;
	_ =	sdelay $0x4  }
0x2b9: {  	v5 =	vld.idx.msk [tilespmem:v5+s24+$0x0], $0xffff;
	_ =	sdelay $0x4  }
0x2ba: {  	s16 =	sshll.u32 s29, $0x8;
	s14 =	sshll.u32 s29, $0x7;
	v5 =	vmax.f32 v5, $1.000000000e+00  }
0x2bb: {  	s0 =	sand.u32 $0xF800, s16;
	s14 =	sand.u32 $0x380, s14;
	(erf) = vrcp.f32 v5  }
0x2bc: {  	s0 =	sor.u32 s14, s0  }
0x2bd: {  	s17 =	sand.u32 $0x400, s1;
	s0 =	sadd.s32 $0x1800, s0  }
0x2be: {  	s15 =	sand.u32 $0x70, s1;
	s14 =	sadd.s32 s17, s0  }
0x2bf: {  	s30 =	sadd.s32 s15, s14  }
0x2c0: {  	v6 =	vld [tilespmem:s30+$0x0];
	_ =	sdelay $0x3  }
0x2c1: {  	s15 =	simm.s32 $0x80;
	v5 =	vpop (erf)  }
0x2c2: {  	s16 =	simm.s32 $0x20;
	s17 =	simm.s32 $0x10;
	s31 =	sand.u32 $0x400, s15;
	v6 =	vmul.f32 v6, v5  }
.LBB2_67:
0x2c3: {  	p2 =	sne.s32 s16, $0xF0;
	s14 =	sand.u32 $0x70, s17;
	s17 =	sadd.s32 s31, s0  }
0x2c4: {  	[tilespmem:s30+$0x0] =	vst v6;
	s30 =	sadd.s32 s14, s17;
	s17 =	smov.u32 s16  }
0x2c5: {  	v6 =	vld [tilespmem:s30+$0x0]  }
.Ltmp48:
0x2c6: {  	(pc) =	sbr.rel @p2 .LBB2_67-.Ltmp48, $3  }
0x2c7: {  	_ =	sdelay $0x1  }
0x2c8: {  	s15 =	sadd.s32 $0x80, s15  }
0x2c9: {  	s31 =	sand.u32 $0x400, s15;
	s16 =	sadd.s32 $0x10, s16;
	v6 =	vmul.f32 v6, v5  }
0x2ca: {  	s14 =	sand.u32 $0x70, s17;
	s0 =	sadd.s32 s31, s0  }
0x2cb: {  	s0 =	sadd.s32 s14, s0;
	[tilespmem:s30+$0x0] =	vst v6  }
0x2cc: {  	v6 =	vld [tilespmem:s0+$0x0]  }
0x2cd: {  	s29 =	sadd.s32 $0x1, s29  }
0x2ce: {  	p2 =	sne.s32 s29, $0xE8  }
.Ltmp49:
0x2cf: {  	_ = 	snop;
	(pc) =	sbr.rel @p2 .LBB2_66-.Ltmp49, $3  }
0x2d0: {  	_ = 	snop  }
0x2d1: {  	v5 =	vmul.f32 v6, v5;
	_ =	sdelay $0x1  }
0x2d2: {  	[tilespmem:s0+$0x0] =	vst v5  }
.Ltmp50:
0x2d3: {  	s0 =	rddreg [dreg:$0x8];
	(pc) =	sbr.rel .LBB2_70-.Ltmp50, $4  }
0x2d4: {  	[hbm4b:s0+s3] =	stream.linear.scatter [tilespmem:s25], [sflag:$0x1], $0xE800, $0x38;
	[tilespmem:$0x11900] =	vst v63  }
0x2d5: {  	_ =	swait.ge [sflag:s21], $0xE800  }
0x2d6: {  	[sflag:s21] =	ssyncset.done $0x0  }
0x2d7: {  	[sflag:s21] =	ssyncadd.s32 $0xFFFF1800  }
.LBB2_71:
0x2d8: {  	_ =	sfence.sel $0x180000  }
0x2d9: {  	[bflag:$0x0] =	sbarrier.arrive $0xFFFF  }
0x2da: {  	_ =	strace $0x90000047  }
0x2db: {  	s0 =	stileid.u32;
	[bflag:$0x2] =	sbarrier.arrive $0xFFFF  }
0x2dc: {  	p0 =	sne.s32 s0, $0x0;
	s0 =	rddreg [dreg:$0x4]  }
0x2dd: {  	s0 =	sadd.s32 @!p0 $0x100000, s0  }
0x2de: {  	[sflag:s0] =	ssyncadd.tile.s32 @!p0 $0x1;
	_ =	shalt  }
.Lfunc_end2:
_tile_overlayer_lowered:
.L_overlay_start_2:
0x2df: {  	(tag) =	ssettag $0x2  }
0x2e0: {  	s0 =	rddreg [dreg:$0x0];
	s2 =	stileid.u32  }
0x2e1: {  	s1 =	rddreg [dreg:$0x1];
	p0 =	sne.s32 s2, $0x0  }
0x2e2: {  	s3 =	rddreg [dreg:$0x2];
	[bflag:$0x3] =	sbarrier.arrive $0xFFFF;
	s2 =	simm.s32 @!p0 $0x1C02  }
0x2e3: {  	[timem:s3], [sflag:s2] =	dma.local @!p0 [hbm:s0], s1  }
0x2e4: {  	s0 =	simm.s32 @!p0 $0x2  }
0x2e5: {  	_ =	swait.ge @!p0 [sflag:s0], s1  }
0x2e6: {  	s1 =	ssub.s32 @!p0 $0x0, s1;
	[sflag:s0] =	ssyncset.done @!p0 $0x0  }
0x2e7: {  	[sflag:s0] =	ssyncadd.s32 @!p0 s1  }
0x2e8: {  	[bflag:$0x3] =	sbarrier.arrive $0xFFFF  }
0x2e9: {  	_ =	shalt  }

</sc_bundles>
